<compile_context>
chip_gen: v7x
topology: tpu7x:2x2x1
jax: 0.10.2.dev20260603
libtpu: 0.0.44.dev20260713+nightly
codegen_flags: <defaults>
</compile_context>

<pallas_src>
import jax
import jax.numpy as jnp
from jax import lax
from jax.experimental import pallas as pl
from jax.experimental.pallas import tpu as pltpu
from jax.experimental.pallas import tpu_sc as plsc

N_TOTAL = 32768
N_GROUPS = 16
CHUNK = N_TOTAL // 32
WSIZE = 5120


def _body(scores_hbm, nbest_hbm, out_hbm, nb_v, window, outbuf, sbuf, ebuf,
          redbuf, ibuf):
    cid = lax.axis_index("c")
    sid = lax.axis_index("s")
    wid = sid * 2 + cid
    lane = lax.iota(jnp.int32, 16)

    pltpu.sync_copy(nbest_hbm, nb_v)
    nb = nb_v[...]
    x = nb
    for k in (1, 2, 4, 8):
        ibuf[...] = x
        y = plsc.load_gather(ibuf, [jnp.maximum(lane - k, 0)])
        x = x + jnp.where(lane >= k, y, 0)
    ends_v = x
    starts_v = ends_v - nb
    sbuf[...] = starts_v
    ebuf[...] = ends_v

    c0 = wid * CHUNK
    c1 = c0 + CHUNK
    ws = pl.multiple_of(
        jnp.minimum(jnp.maximum(c0 - 2048, 0), N_TOTAL - WSIZE), CHUNK)
    pltpu.sync_copy(scores_hbm.at[pl.ds(ws, WSIZE)], window)

    coff = c0 - ws
    for j in range(CHUNK // 16):
        outbuf[pl.ds(j * 16, 16)] = window[pl.ds(coff + j * 16, 16)]

    def seg_loop(g, carry):
        gv = jnp.zeros((16,), jnp.int32) + g
        s_g = plsc.load_gather(sbuf, [gv])[0]
        e_g = plsc.load_gather(ebuf, [gv])[0]

        @pl.when((s_g < c1) & (e_g > c0))
        def _segment():
            ilo = s_g >> 4
            ihi = (e_g + 15) >> 4
            iflo = (s_g + 15) >> 4
            ifhi = jnp.maximum(e_g >> 4, iflo)

            def msum(i, s):
                gpos = i * 16 + lane
                v = window[pl.ds(i * 16 - ws, 16)]
                m = (gpos >= s_g) & (gpos < e_g)
                return s + jnp.where(m, jnp.exp(v), 0.0)

            s = lax.fori_loop(ilo, jnp.minimum(iflo, ihi), msum,
                              jnp.zeros((16,), jnp.float32))
            n_int = ifhi - iflo

            def usum4(k, s):
                b = (iflo + k * 4) * 16 - ws
                e0 = jnp.exp(window[pl.ds(b, 16)])
                e1 = jnp.exp(window[pl.ds(b + 16, 16)])
                e2 = jnp.exp(window[pl.ds(b + 32, 16)])
                e3 = jnp.exp(window[pl.ds(b + 48, 16)])
                return s + ((e0 + e1) + (e2 + e3))

            s = lax.fori_loop(0, n_int >> 2, usum4, s)

            def usum(i, s):
                return s + jnp.exp(window[pl.ds(i * 16 - ws, 16)])

            s = lax.fori_loop(iflo + (n_int & -4), ifhi, usum, s)
            s = lax.fori_loop(ifhi, ihi, msum, s)

            for k in (1, 2, 4, 8):
                redbuf[...] = s
                s = s + plsc.load_gather(redbuf, [lane ^ k])
            inv = 1.0 / s

            cs = jnp.maximum(s_g, c0)
            ce = jnp.minimum(e_g, c1)
            jlo = cs >> 4
            jhi = (ce + 15) >> 4
            jflo = (cs + 15) >> 4
            jfhi = jnp.maximum(ce >> 4, jflo)

            def mnrm(i, carry2):
                gpos = i * 16 + lane
                v = window[pl.ds(i * 16 - ws, 16)]
                m = (gpos >= s_g) & (gpos < e_g)
                o = outbuf[pl.ds(i * 16 - c0, 16)]
                outbuf[pl.ds(i * 16 - c0, 16)] = jnp.where(
                    m, jnp.exp(v) * inv, o)
                return carry2

            def unrm(i, carry2):
                outbuf[pl.ds(i * 16 - c0, 16)] = (
                    jnp.exp(window[pl.ds(i * 16 - ws, 16)]) * inv)
                return carry2

            lax.fori_loop(jlo, jnp.minimum(jflo, jhi), mnrm, jnp.int32(0))
            lax.fori_loop(jflo, jfhi, unrm, jnp.int32(0))
            lax.fori_loop(jfhi, jhi, mnrm, jnp.int32(0))

        return carry

    lax.fori_loop(0, N_GROUPS, seg_loop, jnp.int32(0))

    pltpu.sync_copy(outbuf, out_hbm.at[pl.ds(c0, CHUNK)])


@jax.jit
def kernel(scores, nBestIndex):
    mesh = plsc.VectorSubcoreMesh(core_axis_name="c", subcore_axis_name="s")
    f = pl.kernel(
        _body,
        out_type=jax.ShapeDtypeStruct((N_TOTAL,), jnp.float32),
        mesh=mesh,
        compiler_params=pltpu.CompilerParams(
            needs_layout_passes=False,
            skip_device_barrier=True,
            disable_bounds_checks=True,
            disable_semaphore_checks=True,
        ),
        scratch_types=[
            pltpu.VMEM((N_GROUPS,), jnp.int32),
            pltpu.VMEM((WSIZE,), jnp.float32),
            pltpu.VMEM((CHUNK,), jnp.float32),
            pltpu.VMEM((N_GROUPS,), jnp.int32),
            pltpu.VMEM((N_GROUPS,), jnp.int32),
            pltpu.VMEM((16,), jnp.float32),
            pltpu.VMEM((16,), jnp.int32),
        ],
    )
    return f(scores, nBestIndex)

# --- scband reference (transcript-rebuilt; emitter-appended) ---
"""Pipeline reference for scband-softmax-over-nbest-53506702573736 (READ-ONLY COPY).

The authoritative reference and input builder live on the scoring server;
editing this copy changes nothing except your own understanding.
"""

import jax, jax.numpy as jnp
import numpy as np

N_TOTAL = 32768
N_GROUPS = 16
LEN_MAX = 2000

def setup_inputs(seed: int = 0) -> dict:
    key = jax.random.key(seed)
    k1, k2 = jax.random.split(key)
    scores = jax.random.normal(k1, (N_TOTAL,), dtype=jnp.float32)
    nBestIndex = jax.random.randint(k2, (N_GROUPS,), 0, LEN_MAX, dtype=jnp.int32)
    return {"scores": scores, "nBestIndex": nBestIndex}

def reference(scores, nBestIndex):
    # Faithful translation of SoftmaxOverNBest.forward for 1-D scores,
    # log_score=False, paddingNbest=False (defaults).
    # Segments are disjoint, so in-place overwrite in torch == functional .at[].set here.
    pos = jnp.arange(LEN_MAX, dtype=jnp.int32)

    def body(g, carry):
        out, start = carry
        idx = nBestIndex[g]
        seg = jax.lax.dynamic_slice(out, (start,), (LEN_MAX,))
        valid = pos < idx
        masked = jnp.where(valid, seg, -jnp.inf)
        sm = jax.nn.softmax(masked, axis=-1)
        new_seg = jnp.where(valid, sm, seg)
        out = jax.lax.dynamic_update_slice(out, new_seg, (start,))
        return out, start + idx

    out, _ = jax.lax.fori_loop(0, N_GROUPS, body, (scores, jnp.int32(0)))
    return out

if __name__ == "__main__":
    import jax
    _d = setup_inputs()
    print(jax.jit(kernel)(*tuple(_d.values())))

</pallas_src>

<mosaic_0001>
#map = affine_map<(d0, d1) -> (0)>
module attributes {stable_mosaic.version = 14 : i64} {
  func.func @_body(%arg0: i32, %arg1: i32, %arg2: memref<32768xf32, #tpu.memory_space<hbm>>, %arg3: memref<16xi32, #tpu.memory_space<hbm>>, %arg4: memref<32768xf32, #tpu.memory_space<hbm>>, %arg5: memref<16xi32, #tpu.memory_space<vmem>>, %arg6: memref<5120xf32, #tpu.memory_space<vmem>>, %arg7: memref<1024xf32, #tpu.memory_space<vmem>>, %arg8: memref<16xi32, #tpu.memory_space<vmem>>, %arg9: memref<16xi32, #tpu.memory_space<vmem>>, %arg10: memref<16xf32, #tpu.memory_space<vmem>>, %arg11: memref<16xi32, #tpu.memory_space<vmem>>) attributes {dimension_semantics = [#tpu.dimension_semantics<core_parallel>, #tpu.dimension_semantics<subcore_parallel>], iteration_bounds = array<i64: 2, 16>, scalar_prefetch = 0 : i64, scratch_operands = 7 : i64, tpu.core_type = #tpu.core_type<sc_vector_subcore>, window_params = [{transform_indices = #map}, {transform_indices = #map}, {transform_indices = #map}]} {
    %mul3A = arith.constant 2 : i32
    %mul3A_0 = arith.muli %arg1, %mul3A : i32
    %add3A = arith.addi %mul3A_0, %arg0 : i32
    %iota3A = tpu.iota {dimensions = array<i32: 0>} : vector<16xi32>
    "tpu.region"() ({
      %run_scoped3A = tpu.sem_alloc : memref<!tpu.dma_semaphore, #tpu.memory_space<semaphore_mem>>
      tpu.enqueue_dma source(%arg3 : memref<16xi32, #tpu.memory_space<hbm>>) target(%arg5 : memref<16xi32, #tpu.memory_space<vmem>>) target_semaphore(%run_scoped3A : memref<!tpu.dma_semaphore, #tpu.memory_space<semaphore_mem>>)
      tpu.wait_dma2 semaphore(%run_scoped3A : memref<!tpu.dma_semaphore, #tpu.memory_space<semaphore_mem>>) src(%arg3 : memref<16xi32, #tpu.memory_space<hbm>>) dst(%arg5 : memref<16xi32, #tpu.memory_space<vmem>>)
      tpu.yield
    }) : () -> ()
    %get3A = arith.constant 0 : index
    %get3A_1 = tpu.vector_load %arg5[%get3A] {strides = array<i32>} : memref<16xi32, #tpu.memory_space<vmem>>, vector<16xi32>,
    %swap3A = arith.constant 0 : index
    %swap3A_2 = tpu.vector_load %arg11[%swap3A] {strides = array<i32>} : memref<16xi32, #tpu.memory_space<vmem>>, vector<16xi32>,
    tpu.vector_store %arg11[%swap3A], %get3A_1 {strides = array<i32>} : memref<16xi32, #tpu.memory_space<vmem>>, vector<16xi32>,
    %sub3A = arith.constant 1 : i32
    %sub3A_3 = vector.broadcast %sub3A : i32 to vector<16xi32>
    %sub3A_4 = arith.subi %iota3A, %sub3A_3 : vector<16xi32>
    %max3A = arith.constant 0 : i32
    %max3A_5 = vector.broadcast %max3A : i32 to vector<16xi32>
    %max3A_6 = arith.maxsi %sub3A_4, %max3A_5 : vector<16xi32>
    %gather3A = tpu.vector_load_idx %arg11[%max3A_6] : memref<16xi32, #tpu.memory_space<vmem>>[vector<16xi32>], vector<16xi32>,
    %ge3A = arith.constant 1 : i32
    %ge3A_7 = vector.broadcast %ge3A : i32 to vector<16xi32>
    %ge3A_8 = arith.cmpi sge, %iota3A, %ge3A_7 : vector<16xi32>
    %jit3A = arith.constant 0 : i32
    %broadcast_in_dim3A = vector.broadcast %jit3A : i32 to vector<16xi32>
    %select_n3A = arith.select %ge3A_8, %gather3A, %broadcast_in_dim3A : vector<16xi1>, vector<16xi32>
    %add3A_9 = arith.addi %get3A_1, %select_n3A : vector<16xi32>
    %swap3A_10 = arith.constant 0 : index
    %swap3A_11 = tpu.vector_load %arg11[%swap3A_10] {strides = array<i32>} : memref<16xi32, #tpu.memory_space<vmem>>, vector<16xi32>,
    tpu.vector_store %arg11[%swap3A_10], %add3A_9 {strides = array<i32>} : memref<16xi32, #tpu.memory_space<vmem>>, vector<16xi32>,
    %sub3A_12 = arith.constant 2 : i32
    %sub3A_13 = vector.broadcast %sub3A_12 : i32 to vector<16xi32>
    %sub3A_14 = arith.subi %iota3A, %sub3A_13 : vector<16xi32>
    %max3A_15 = arith.constant 0 : i32
    %max3A_16 = vector.broadcast %max3A_15 : i32 to vector<16xi32>
    %max3A_17 = arith.maxsi %sub3A_14, %max3A_16 : vector<16xi32>
    %gather3A_18 = tpu.vector_load_idx %arg11[%max3A_17] : memref<16xi32, #tpu.memory_space<vmem>>[vector<16xi32>], vector<16xi32>,
    %ge3A_19 = arith.constant 2 : i32
    %ge3A_20 = vector.broadcast %ge3A_19 : i32 to vector<16xi32>
    %ge3A_21 = arith.cmpi sge, %iota3A, %ge3A_20 : vector<16xi32>
    %jit3A_22 = arith.constant 0 : i32
    %broadcast_in_dim3A_23 = vector.broadcast %jit3A_22 : i32 to vector<16xi32>
    %select_n3A_24 = arith.select %ge3A_21, %gather3A_18, %broadcast_in_dim3A_23 : vector<16xi1>, vector<16xi32>
    %add3A_25 = arith.addi %add3A_9, %select_n3A_24 : vector<16xi32>
    %swap3A_26 = arith.constant 0 : index
    %swap3A_27 = tpu.vector_load %arg11[%swap3A_26] {strides = array<i32>} : memref<16xi32, #tpu.memory_space<vmem>>, vector<16xi32>,
    tpu.vector_store %arg11[%swap3A_26], %add3A_25 {strides = array<i32>} : memref<16xi32, #tpu.memory_space<vmem>>, vector<16xi32>,
    %sub3A_28 = arith.constant 4 : i32
    %sub3A_29 = vector.broadcast %sub3A_28 : i32 to vector<16xi32>
    %sub3A_30 = arith.subi %iota3A, %sub3A_29 : vector<16xi32>
    %max3A_31 = arith.constant 0 : i32
    %max3A_32 = vector.broadcast %max3A_31 : i32 to vector<16xi32>
    %max3A_33 = arith.maxsi %sub3A_30, %max3A_32 : vector<16xi32>
    %gather3A_34 = tpu.vector_load_idx %arg11[%max3A_33] : memref<16xi32, #tpu.memory_space<vmem>>[vector<16xi32>], vector<16xi32>,
    %ge3A_35 = arith.constant 4 : i32
    %ge3A_36 = vector.broadcast %ge3A_35 : i32 to vector<16xi32>
    %ge3A_37 = arith.cmpi sge, %iota3A, %ge3A_36 : vector<16xi32>
    %jit3A_38 = arith.constant 0 : i32
    %broadcast_in_dim3A_39 = vector.broadcast %jit3A_38 : i32 to vector<16xi32>
    %select_n3A_40 = arith.select %ge3A_37, %gather3A_34, %broadcast_in_dim3A_39 : vector<16xi1>, vector<16xi32>
    %add3A_41 = arith.addi %add3A_25, %select_n3A_40 : vector<16xi32>
    %swap3A_42 = arith.constant 0 : index
    %swap3A_43 = tpu.vector_load %arg11[%swap3A_42] {strides = array<i32>} : memref<16xi32, #tpu.memory_space<vmem>>, vector<16xi32>,
    tpu.vector_store %arg11[%swap3A_42], %add3A_41 {strides = array<i32>} : memref<16xi32, #tpu.memory_space<vmem>>, vector<16xi32>,
    %sub3A_44 = arith.constant 8 : i32
    %sub3A_45 = vector.broadcast %sub3A_44 : i32 to vector<16xi32>
    %sub3A_46 = arith.subi %iota3A, %sub3A_45 : vector<16xi32>
    %max3A_47 = arith.constant 0 : i32
    %max3A_48 = vector.broadcast %max3A_47 : i32 to vector<16xi32>
    %max3A_49 = arith.maxsi %sub3A_46, %max3A_48 : vector<16xi32>
    %gather3A_50 = tpu.vector_load_idx %arg11[%max3A_49] : memref<16xi32, #tpu.memory_space<vmem>>[vector<16xi32>], vector<16xi32>,
    %ge3A_51 = arith.constant 8 : i32
    %ge3A_52 = vector.broadcast %ge3A_51 : i32 to vector<16xi32>
    %ge3A_53 = arith.cmpi sge, %iota3A, %ge3A_52 : vector<16xi32>
    %jit3A_54 = arith.constant 0 : i32
    %broadcast_in_dim3A_55 = vector.broadcast %jit3A_54 : i32 to vector<16xi32>
    %select_n3A_56 = arith.select %ge3A_53, %gather3A_50, %broadcast_in_dim3A_55 : vector<16xi1>, vector<16xi32>
    %add3A_57 = arith.addi %add3A_41, %select_n3A_56 : vector<16xi32>
    %sub3A_58 = arith.subi %add3A_57, %get3A_1 : vector<16xi32>
    %swap3A_59 = arith.constant 0 : index
    %swap3A_60 = tpu.vector_load %arg8[%swap3A_59] {strides = array<i32>} : memref<16xi32, #tpu.memory_space<vmem>>, vector<16xi32>,
    tpu.vector_store %arg8[%swap3A_59], %sub3A_58 {strides = array<i32>} : memref<16xi32, #tpu.memory_space<vmem>>, vector<16xi32>,
    %swap3A_61 = arith.constant 0 : index
    %swap3A_62 = tpu.vector_load %arg9[%swap3A_61] {strides = array<i32>} : memref<16xi32, #tpu.memory_space<vmem>>, vector<16xi32>,
    tpu.vector_store %arg9[%swap3A_61], %add3A_57 {strides = array<i32>} : memref<16xi32, #tpu.memory_space<vmem>>, vector<16xi32>,
    %mul3A_63 = arith.constant 1024 : i32
    %mul3A_64 = arith.muli %add3A, %mul3A_63 : i32
    %add3A_65 = arith.constant 1024 : i32
    %add3A_66 = arith.addi %mul3A_64, %add3A_65 : i32
    %sub3A_67 = arith.constant 2048 : i32
    %sub3A_68 = arith.subi %mul3A_64, %sub3A_67 : i32
    %max3A_69 = arith.constant 0 : i32
    %max3A_70 = arith.maxsi %sub3A_68, %max3A_69 : i32
    %min3A = arith.constant 27648 : i32
    %min3A_71 = arith.minsi %max3A_70, %min3A : i32
    %multiple_of3A = tpu.assume_multiple %min3A_71, 1024 : i32
    "tpu.region"() ({
      %run_scoped3A = tpu.sem_alloc : memref<!tpu.dma_semaphore, #tpu.memory_space<semaphore_mem>>
      %dma_start3A = tpu.memref_slice %arg2[%multiple_of3A] : memref<32768xf32, #tpu.memory_space<hbm>> -> memref<5120xf32, #tpu.memory_space<hbm>>
      %dma_start3A_462 = tpu.memref_slice %arg2[%multiple_of3A] : memref<32768xf32, #tpu.memory_space<hbm>> -> memref<5120xf32, #tpu.memory_space<hbm>>
      tpu.enqueue_dma source(%dma_start3A_462 : memref<5120xf32, #tpu.memory_space<hbm>>) target(%arg6 : memref<5120xf32, #tpu.memory_space<vmem>>) target_semaphore(%run_scoped3A : memref<!tpu.dma_semaphore, #tpu.memory_space<semaphore_mem>>)
      %dma_wait3A = tpu.memref_slice %arg2[%multiple_of3A] : memref<32768xf32, #tpu.memory_space<hbm>> -> memref<5120xf32, #tpu.memory_space<hbm>>
      %dma_wait3A_463 = tpu.memref_slice %arg2[%multiple_of3A] : memref<32768xf32, #tpu.memory_space<hbm>> -> memref<5120xf32, #tpu.memory_space<hbm>>
      tpu.wait_dma2 semaphore(%run_scoped3A : memref<!tpu.dma_semaphore, #tpu.memory_space<semaphore_mem>>) src(%dma_wait3A_463 : memref<5120xf32, #tpu.memory_space<hbm>>) dst(%arg6 : memref<5120xf32, #tpu.memory_space<vmem>>)
      tpu.yield
    }) : () -> ()
    %sub3A_72 = arith.subi %mul3A_64, %multiple_of3A : i32
    %add3A_73 = arith.constant 0 : i32
    %add3A_74 = arith.addi %sub3A_72, %add3A_73 : i32
    %get3A_75 = arith.index_cast %add3A_74 : i32 to index
    %get3A_76 = tpu.vector_load %arg6[%get3A_75] {strides = array<i32>} : memref<5120xf32, #tpu.memory_space<vmem>>, vector<16xf32>,
    %swap3A_77 = arith.constant 0 : index
    %swap3A_78 = tpu.vector_load %arg7[%swap3A_77] {strides = array<i32>} : memref<1024xf32, #tpu.memory_space<vmem>>, vector<16xf32>,
    tpu.vector_store %arg7[%swap3A_77], %get3A_76 {strides = array<i32>} : memref<1024xf32, #tpu.memory_space<vmem>>, vector<16xf32>,
    %add3A_79 = arith.constant 16 : i32
    %add3A_80 = arith.addi %sub3A_72, %add3A_79 : i32
    %get3A_81 = arith.index_cast %add3A_80 : i32 to index
    %get3A_82 = tpu.vector_load %arg6[%get3A_81] {strides = array<i32>} : memref<5120xf32, #tpu.memory_space<vmem>>, vector<16xf32>,
    %swap3A_83 = arith.constant 16 : index
    %swap3A_84 = tpu.vector_load %arg7[%swap3A_83] {strides = array<i32>} : memref<1024xf32, #tpu.memory_space<vmem>>, vector<16xf32>,
    tpu.vector_store %arg7[%swap3A_83], %get3A_82 {strides = array<i32>} : memref<1024xf32, #tpu.memory_space<vmem>>, vector<16xf32>,
    %add3A_85 = arith.constant 32 : i32
    %add3A_86 = arith.addi %sub3A_72, %add3A_85 : i32
    %get3A_87 = arith.index_cast %add3A_86 : i32 to index
    %get3A_88 = tpu.vector_load %arg6[%get3A_87] {strides = array<i32>} : memref<5120xf32, #tpu.memory_space<vmem>>, vector<16xf32>,
    %swap3A_89 = arith.constant 32 : index
    %swap3A_90 = tpu.vector_load %arg7[%swap3A_89] {strides = array<i32>} : memref<1024xf32, #tpu.memory_space<vmem>>, vector<16xf32>,
    tpu.vector_store %arg7[%swap3A_89], %get3A_88 {strides = array<i32>} : memref<1024xf32, #tpu.memory_space<vmem>>, vector<16xf32>,
    %add3A_91 = arith.constant 48 : i32
    %add3A_92 = arith.addi %sub3A_72, %add3A_91 : i32
    %get3A_93 = arith.index_cast %add3A_92 : i32 to index
    %get3A_94 = tpu.vector_load %arg6[%get3A_93] {strides = array<i32>} : memref<5120xf32, #tpu.memory_space<vmem>>, vector<16xf32>,
    %swap3A_95 = arith.constant 48 : index
    %swap3A_96 = tpu.vector_load %arg7[%swap3A_95] {strides = array<i32>} : memref<1024xf32, #tpu.memory_space<vmem>>, vector<16xf32>,
    tpu.vector_store %arg7[%swap3A_95], %get3A_94 {strides = array<i32>} : memref<1024xf32, #tpu.memory_space<vmem>>, vector<16xf32>,
    %add3A_97 = arith.constant 64 : i32
    %add3A_98 = arith.addi %sub3A_72, %add3A_97 : i32
    %get3A_99 = arith.index_cast %add3A_98 : i32 to index
    %get3A_100 = tpu.vector_load %arg6[%get3A_99] {strides = array<i32>} : memref<5120xf32, #tpu.memory_space<vmem>>, vector<16xf32>,
    %swap3A_101 = arith.constant 64 : index
    %swap3A_102 = tpu.vector_load %arg7[%swap3A_101] {strides = array<i32>} : memref<1024xf32, #tpu.memory_space<vmem>>, vector<16xf32>,
    tpu.vector_store %arg7[%swap3A_101], %get3A_100 {strides = array<i32>} : memref<1024xf32, #tpu.memory_space<vmem>>, vector<16xf32>,
    %add3A_103 = arith.constant 80 : i32
    %add3A_104 = arith.addi %sub3A_72, %add3A_103 : i32
    %get3A_105 = arith.index_cast %add3A_104 : i32 to index
    %get3A_106 = tpu.vector_load %arg6[%get3A_105] {strides = array<i32>} : memref<5120xf32, #tpu.memory_space<vmem>>, vector<16xf32>,
    %swap3A_107 = arith.constant 80 : index
    %swap3A_108 = tpu.vector_load %arg7[%swap3A_107] {strides = array<i32>} : memref<1024xf32, #tpu.memory_space<vmem>>, vector<16xf32>,
    tpu.vector_store %arg7[%swap3A_107], %get3A_106 {strides = array<i32>} : memref<1024xf32, #tpu.memory_space<vmem>>, vector<16xf32>,
    %add3A_109 = arith.constant 96 : i32
    %add3A_110 = arith.addi %sub3A_72, %add3A_109 : i32
    %get3A_111 = arith.index_cast %add3A_110 : i32 to index
    %get3A_112 = tpu.vector_load %arg6[%get3A_111] {strides = array<i32>} : memref<5120xf32, #tpu.memory_space<vmem>>, vector<16xf32>,
    %swap3A_113 = arith.constant 96 : index
    %swap3A_114 = tpu.vector_load %arg7[%swap3A_113] {strides = array<i32>} : memref<1024xf32, #tpu.memory_space<vmem>>, vector<16xf32>,
    tpu.vector_store %arg7[%swap3A_113], %get3A_112 {strides = array<i32>} : memref<1024xf32, #tpu.memory_space<vmem>>, vector<16xf32>,
    %add3A_115 = arith.constant 112 : i32
    %add3A_116 = arith.addi %sub3A_72, %add3A_115 : i32
    %get3A_117 = arith.index_cast %add3A_116 : i32 to index
    %get3A_118 = tpu.vector_load %arg6[%get3A_117] {strides = array<i32>} : memref<5120xf32, #tpu.memory_space<vmem>>, vector<16xf32>,
    %swap3A_119 = arith.constant 112 : index
    %swap3A_120 = tpu.vector_load %arg7[%swap3A_119] {strides = array<i32>} : memref<1024xf32, #tpu.memory_space<vmem>>, vector<16xf32>,
    tpu.vector_store %arg7[%swap3A_119], %get3A_118 {strides = array<i32>} : memref<1024xf32, #tpu.memory_space<vmem>>, vector<16xf32>,
    %add3A_121 = arith.constant 128 : i32
    %add3A_122 = arith.addi %sub3A_72, %add3A_121 : i32
    %get3A_123 = arith.index_cast %add3A_122 : i32 to index
    %get3A_124 = tpu.vector_load %arg6[%get3A_123] {strides = array<i32>} : memref<5120xf32, #tpu.memory_space<vmem>>, vector<16xf32>,
    %swap3A_125 = arith.constant 128 : index
    %swap3A_126 = tpu.vector_load %arg7[%swap3A_125] {strides = array<i32>} : memref<1024xf32, #tpu.memory_space<vmem>>, vector<16xf32>,
    tpu.vector_store %arg7[%swap3A_125], %get3A_124 {strides = array<i32>} : memref<1024xf32, #tpu.memory_space<vmem>>, vector<16xf32>,
    %add3A_127 = arith.constant 144 : i32
    %add3A_128 = arith.addi %sub3A_72, %add3A_127 : i32
    %get3A_129 = arith.index_cast %add3A_128 : i32 to index
    %get3A_130 = tpu.vector_load %arg6[%get3A_129] {strides = array<i32>} : memref<5120xf32, #tpu.memory_space<vmem>>, vector<16xf32>,
    %swap3A_131 = arith.constant 144 : index
    %swap3A_132 = tpu.vector_load %arg7[%swap3A_131] {strides = array<i32>} : memref<1024xf32, #tpu.memory_space<vmem>>, vector<16xf32>,
    tpu.vector_store %arg7[%swap3A_131], %get3A_130 {strides = array<i32>} : memref<1024xf32, #tpu.memory_space<vmem>>, vector<16xf32>,
    %add3A_133 = arith.constant 160 : i32
    %add3A_134 = arith.addi %sub3A_72, %add3A_133 : i32
    %get3A_135 = arith.index_cast %add3A_134 : i32 to index
    %get3A_136 = tpu.vector_load %arg6[%get3A_135] {strides = array<i32>} : memref<5120xf32, #tpu.memory_space<vmem>>, vector<16xf32>,
    %swap3A_137 = arith.constant 160 : index
    %swap3A_138 = tpu.vector_load %arg7[%swap3A_137] {strides = array<i32>} : memref<1024xf32, #tpu.memory_space<vmem>>, vector<16xf32>,
    tpu.vector_store %arg7[%swap3A_137], %get3A_136 {strides = array<i32>} : memref<1024xf32, #tpu.memory_space<vmem>>, vector<16xf32>,
    %add3A_139 = arith.constant 176 : i32
    %add3A_140 = arith.addi %sub3A_72, %add3A_139 : i32
    %get3A_141 = arith.index_cast %add3A_140 : i32 to index
    %get3A_142 = tpu.vector_load %arg6[%get3A_141] {strides = array<i32>} : memref<5120xf32, #tpu.memory_space<vmem>>, vector<16xf32>,
    %swap3A_143 = arith.constant 176 : index
    %swap3A_144 = tpu.vector_load %arg7[%swap3A_143] {strides = array<i32>} : memref<1024xf32, #tpu.memory_space<vmem>>, vector<16xf32>,
    tpu.vector_store %arg7[%swap3A_143], %get3A_142 {strides = array<i32>} : memref<1024xf32, #tpu.memory_space<vmem>>, vector<16xf32>,
    %add3A_145 = arith.constant 192 : i32
    %add3A_146 = arith.addi %sub3A_72, %add3A_145 : i32
    %get3A_147 = arith.index_cast %add3A_146 : i32 to index
    %get3A_148 = tpu.vector_load %arg6[%get3A_147] {strides = array<i32>} : memref<5120xf32, #tpu.memory_space<vmem>>, vector<16xf32>,
    %swap3A_149 = arith.constant 192 : index
    %swap3A_150 = tpu.vector_load %arg7[%swap3A_149] {strides = array<i32>} : memref<1024xf32, #tpu.memory_space<vmem>>, vector<16xf32>,
    tpu.vector_store %arg7[%swap3A_149], %get3A_148 {strides = array<i32>} : memref<1024xf32, #tpu.memory_space<vmem>>, vector<16xf32>,
    %add3A_151 = arith.constant 208 : i32
    %add3A_152 = arith.addi %sub3A_72, %add3A_151 : i32
    %get3A_153 = arith.index_cast %add3A_152 : i32 to index
    %get3A_154 = tpu.vector_load %arg6[%get3A_153] {strides = array<i32>} : memref<5120xf32, #tpu.memory_space<vmem>>, vector<16xf32>,
    %swap3A_155 = arith.constant 208 : index
    %swap3A_156 = tpu.vector_load %arg7[%swap3A_155] {strides = array<i32>} : memref<1024xf32, #tpu.memory_space<vmem>>, vector<16xf32>,
    tpu.vector_store %arg7[%swap3A_155], %get3A_154 {strides = array<i32>} : memref<1024xf32, #tpu.memory_space<vmem>>, vector<16xf32>,
    %add3A_157 = arith.constant 224 : i32
    %add3A_158 = arith.addi %sub3A_72, %add3A_157 : i32
    %get3A_159 = arith.index_cast %add3A_158 : i32 to index
    %get3A_160 = tpu.vector_load %arg6[%get3A_159] {strides = array<i32>} : memref<5120xf32, #tpu.memory_space<vmem>>, vector<16xf32>,
    %swap3A_161 = arith.constant 224 : index
    %swap3A_162 = tpu.vector_load %arg7[%swap3A_161] {strides = array<i32>} : memref<1024xf32, #tpu.memory_space<vmem>>, vector<16xf32>,
    tpu.vector_store %arg7[%swap3A_161], %get3A_160 {strides = array<i32>} : memref<1024xf32, #tpu.memory_space<vmem>>, vector<16xf32>,
    %add3A_163 = arith.constant 240 : i32
    %add3A_164 = arith.addi %sub3A_72, %add3A_163 : i32
    %get3A_165 = arith.index_cast %add3A_164 : i32 to index
    %get3A_166 = tpu.vector_load %arg6[%get3A_165] {strides = array<i32>} : memref<5120xf32, #tpu.memory_space<vmem>>, vector<16xf32>,
    %swap3A_167 = arith.constant 240 : index
    %swap3A_168 = tpu.vector_load %arg7[%swap3A_167] {strides = array<i32>} : memref<1024xf32, #tpu.memory_space<vmem>>, vector<16xf32>,
    tpu.vector_store %arg7[%swap3A_167], %get3A_166 {strides = array<i32>} : memref<1024xf32, #tpu.memory_space<vmem>>, vector<16xf32>,
    %add3A_169 = arith.constant 256 : i32
    %add3A_170 = arith.addi %sub3A_72, %add3A_169 : i32
    %get3A_171 = arith.index_cast %add3A_170 : i32 to index
    %get3A_172 = tpu.vector_load %arg6[%get3A_171] {strides = array<i32>} : memref<5120xf32, #tpu.memory_space<vmem>>, vector<16xf32>,
    %swap3A_173 = arith.constant 256 : index
    %swap3A_174 = tpu.vector_load %arg7[%swap3A_173] {strides = array<i32>} : memref<1024xf32, #tpu.memory_space<vmem>>, vector<16xf32>,
    tpu.vector_store %arg7[%swap3A_173], %get3A_172 {strides = array<i32>} : memref<1024xf32, #tpu.memory_space<vmem>>, vector<16xf32>,
    %add3A_175 = arith.constant 272 : i32
    %add3A_176 = arith.addi %sub3A_72, %add3A_175 : i32
    %get3A_177 = arith.index_cast %add3A_176 : i32 to index
    %get3A_178 = tpu.vector_load %arg6[%get3A_177] {strides = array<i32>} : memref<5120xf32, #tpu.memory_space<vmem>>, vector<16xf32>,
    %swap3A_179 = arith.constant 272 : index
    %swap3A_180 = tpu.vector_load %arg7[%swap3A_179] {strides = array<i32>} : memref<1024xf32, #tpu.memory_space<vmem>>, vector<16xf32>,
    tpu.vector_store %arg7[%swap3A_179], %get3A_178 {strides = array<i32>} : memref<1024xf32, #tpu.memory_space<vmem>>, vector<16xf32>,
    %add3A_181 = arith.constant 288 : i32
    %add3A_182 = arith.addi %sub3A_72, %add3A_181 : i32
    %get3A_183 = arith.index_cast %add3A_182 : i32 to index
    %get3A_184 = tpu.vector_load %arg6[%get3A_183] {strides = array<i32>} : memref<5120xf32, #tpu.memory_space<vmem>>, vector<16xf32>,
    %swap3A_185 = arith.constant 288 : index
    %swap3A_186 = tpu.vector_load %arg7[%swap3A_185] {strides = array<i32>} : memref<1024xf32, #tpu.memory_space<vmem>>, vector<16xf32>,
    tpu.vector_store %arg7[%swap3A_185], %get3A_184 {strides = array<i32>} : memref<1024xf32, #tpu.memory_space<vmem>>, vector<16xf32>,
    %add3A_187 = arith.constant 304 : i32
    %add3A_188 = arith.addi %sub3A_72, %add3A_187 : i32
    %get3A_189 = arith.index_cast %add3A_188 : i32 to index
    %get3A_190 = tpu.vector_load %arg6[%get3A_189] {strides = array<i32>} : memref<5120xf32, #tpu.memory_space<vmem>>, vector<16xf32>,
    %swap3A_191 = arith.constant 304 : index
    %swap3A_192 = tpu.vector_load %arg7[%swap3A_191] {strides = array<i32>} : memref<1024xf32, #tpu.memory_space<vmem>>, vector<16xf32>,
    tpu.vector_store %arg7[%swap3A_191], %get3A_190 {strides = array<i32>} : memref<1024xf32, #tpu.memory_space<vmem>>, vector<16xf32>,
    %add3A_193 = arith.constant 320 : i32
    %add3A_194 = arith.addi %sub3A_72, %add3A_193 : i32
    %get3A_195 = arith.index_cast %add3A_194 : i32 to index
    %get3A_196 = tpu.vector_load %arg6[%get3A_195] {strides = array<i32>} : memref<5120xf32, #tpu.memory_space<vmem>>, vector<16xf32>,
    %swap3A_197 = arith.constant 320 : index
    %swap3A_198 = tpu.vector_load %arg7[%swap3A_197] {strides = array<i32>} : memref<1024xf32, #tpu.memory_space<vmem>>, vector<16xf32>,
    tpu.vector_store %arg7[%swap3A_197], %get3A_196 {strides = array<i32>} : memref<1024xf32, #tpu.memory_space<vmem>>, vector<16xf32>,
    %add3A_199 = arith.constant 336 : i32
    %add3A_200 = arith.addi %sub3A_72, %add3A_199 : i32
    %get3A_201 = arith.index_cast %add3A_200 : i32 to index
    %get3A_202 = tpu.vector_load %arg6[%get3A_201] {strides = array<i32>} : memref<5120xf32, #tpu.memory_space<vmem>>, vector<16xf32>,
    %swap3A_203 = arith.constant 336 : index
    %swap3A_204 = tpu.vector_load %arg7[%swap3A_203] {strides = array<i32>} : memref<1024xf32, #tpu.memory_space<vmem>>, vector<16xf32>,
    tpu.vector_store %arg7[%swap3A_203], %get3A_202 {strides = array<i32>} : memref<1024xf32, #tpu.memory_space<vmem>>, vector<16xf32>,
    %add3A_205 = arith.constant 352 : i32
    %add3A_206 = arith.addi %sub3A_72, %add3A_205 : i32
    %get3A_207 = arith.index_cast %add3A_206 : i32 to index
    %get3A_208 = tpu.vector_load %arg6[%get3A_207] {strides = array<i32>} : memref<5120xf32, #tpu.memory_space<vmem>>, vector<16xf32>,
    %swap3A_209 = arith.constant 352 : index
    %swap3A_210 = tpu.vector_load %arg7[%swap3A_209] {strides = array<i32>} : memref<1024xf32, #tpu.memory_space<vmem>>, vector<16xf32>,
    tpu.vector_store %arg7[%swap3A_209], %get3A_208 {strides = array<i32>} : memref<1024xf32, #tpu.memory_space<vmem>>, vector<16xf32>,
    %add3A_211 = arith.constant 368 : i32
    %add3A_212 = arith.addi %sub3A_72, %add3A_211 : i32
    %get3A_213 = arith.index_cast %add3A_212 : i32 to index
    %get3A_214 = tpu.vector_load %arg6[%get3A_213] {strides = array<i32>} : memref<5120xf32, #tpu.memory_space<vmem>>, vector<16xf32>,
    %swap3A_215 = arith.constant 368 : index
    %swap3A_216 = tpu.vector_load %arg7[%swap3A_215] {strides = array<i32>} : memref<1024xf32, #tpu.memory_space<vmem>>, vector<16xf32>,
    tpu.vector_store %arg7[%swap3A_215], %get3A_214 {strides = array<i32>} : memref<1024xf32, #tpu.memory_space<vmem>>, vector<16xf32>,
    %add3A_217 = arith.constant 384 : i32
    %add3A_218 = arith.addi %sub3A_72, %add3A_217 : i32
    %get3A_219 = arith.index_cast %add3A_218 : i32 to index
    %get3A_220 = tpu.vector_load %arg6[%get3A_219] {strides = array<i32>} : memref<5120xf32, #tpu.memory_space<vmem>>, vector<16xf32>,
    %swap3A_221 = arith.constant 384 : index
    %swap3A_222 = tpu.vector_load %arg7[%swap3A_221] {strides = array<i32>} : memref<1024xf32, #tpu.memory_space<vmem>>, vector<16xf32>,
    tpu.vector_store %arg7[%swap3A_221], %get3A_220 {strides = array<i32>} : memref<1024xf32, #tpu.memory_space<vmem>>, vector<16xf32>,
    %add3A_223 = arith.constant 400 : i32
    %add3A_224 = arith.addi %sub3A_72, %add3A_223 : i32
    %get3A_225 = arith.index_cast %add3A_224 : i32 to index
    %get3A_226 = tpu.vector_load %arg6[%get3A_225] {strides = array<i32>} : memref<5120xf32, #tpu.memory_space<vmem>>, vector<16xf32>,
    %swap3A_227 = arith.constant 400 : index
    %swap3A_228 = tpu.vector_load %arg7[%swap3A_227] {strides = array<i32>} : memref<1024xf32, #tpu.memory_space<vmem>>, vector<16xf32>,
    tpu.vector_store %arg7[%swap3A_227], %get3A_226 {strides = array<i32>} : memref<1024xf32, #tpu.memory_space<vmem>>, vector<16xf32>,
    %add3A_229 = arith.constant 416 : i32
    %add3A_230 = arith.addi %sub3A_72, %add3A_229 : i32
    %get3A_231 = arith.index_cast %add3A_230 : i32 to index
    %get3A_232 = tpu.vector_load %arg6[%get3A_231] {strides = array<i32>} : memref<5120xf32, #tpu.memory_space<vmem>>, vector<16xf32>,
    %swap3A_233 = arith.constant 416 : index
    %swap3A_234 = tpu.vector_load %arg7[%swap3A_233] {strides = array<i32>} : memref<1024xf32, #tpu.memory_space<vmem>>, vector<16xf32>,
    tpu.vector_store %arg7[%swap3A_233], %get3A_232 {strides = array<i32>} : memref<1024xf32, #tpu.memory_space<vmem>>, vector<16xf32>,
    %add3A_235 = arith.constant 432 : i32
    %add3A_236 = arith.addi %sub3A_72, %add3A_235 : i32
    %get3A_237 = arith.index_cast %add3A_236 : i32 to index
    %get3A_238 = tpu.vector_load %arg6[%get3A_237] {strides = array<i32>} : memref<5120xf32, #tpu.memory_space<vmem>>, vector<16xf32>,
    %swap3A_239 = arith.constant 432 : index
    %swap3A_240 = tpu.vector_load %arg7[%swap3A_239] {strides = array<i32>} : memref<1024xf32, #tpu.memory_space<vmem>>, vector<16xf32>,
    tpu.vector_store %arg7[%swap3A_239], %get3A_238 {strides = array<i32>} : memref<1024xf32, #tpu.memory_space<vmem>>, vector<16xf32>,
    %add3A_241 = arith.constant 448 : i32
    %add3A_242 = arith.addi %sub3A_72, %add3A_241 : i32
    %get3A_243 = arith.index_cast %add3A_242 : i32 to index
    %get3A_244 = tpu.vector_load %arg6[%get3A_243] {strides = array<i32>} : memref<5120xf32, #tpu.memory_space<vmem>>, vector<16xf32>,
    %swap3A_245 = arith.constant 448 : index
    %swap3A_246 = tpu.vector_load %arg7[%swap3A_245] {strides = array<i32>} : memref<1024xf32, #tpu.memory_space<vmem>>, vector<16xf32>,
    tpu.vector_store %arg7[%swap3A_245], %get3A_244 {strides = array<i32>} : memref<1024xf32, #tpu.memory_space<vmem>>, vector<16xf32>,
    %add3A_247 = arith.constant 464 : i32
    %add3A_248 = arith.addi %sub3A_72, %add3A_247 : i32
    %get3A_249 = arith.index_cast %add3A_248 : i32 to index
    %get3A_250 = tpu.vector_load %arg6[%get3A_249] {strides = array<i32>} : memref<5120xf32, #tpu.memory_space<vmem>>, vector<16xf32>,
    %swap3A_251 = arith.constant 464 : index
    %swap3A_252 = tpu.vector_load %arg7[%swap3A_251] {strides = array<i32>} : memref<1024xf32, #tpu.memory_space<vmem>>, vector<16xf32>,
    tpu.vector_store %arg7[%swap3A_251], %get3A_250 {strides = array<i32>} : memref<1024xf32, #tpu.memory_space<vmem>>, vector<16xf32>,
    %add3A_253 = arith.constant 480 : i32
    %add3A_254 = arith.addi %sub3A_72, %add3A_253 : i32
    %get3A_255 = arith.index_cast %add3A_254 : i32 to index
    %get3A_256 = tpu.vector_load %arg6[%get3A_255] {strides = array<i32>} : memref<5120xf32, #tpu.memory_space<vmem>>, vector<16xf32>,
    %swap3A_257 = arith.constant 480 : index
    %swap3A_258 = tpu.vector_load %arg7[%swap3A_257] {strides = array<i32>} : memref<1024xf32, #tpu.memory_space<vmem>>, vector<16xf32>,
    tpu.vector_store %arg7[%swap3A_257], %get3A_256 {strides = array<i32>} : memref<1024xf32, #tpu.memory_space<vmem>>, vector<16xf32>,
    %add3A_259 = arith.constant 496 : i32
    %add3A_260 = arith.addi %sub3A_72, %add3A_259 : i32
    %get3A_261 = arith.index_cast %add3A_260 : i32 to index
    %get3A_262 = tpu.vector_load %arg6[%get3A_261] {strides = array<i32>} : memref<5120xf32, #tpu.memory_space<vmem>>, vector<16xf32>,
    %swap3A_263 = arith.constant 496 : index
    %swap3A_264 = tpu.vector_load %arg7[%swap3A_263] {strides = array<i32>} : memref<1024xf32, #tpu.memory_space<vmem>>, vector<16xf32>,
    tpu.vector_store %arg7[%swap3A_263], %get3A_262 {strides = array<i32>} : memref<1024xf32, #tpu.memory_space<vmem>>, vector<16xf32>,
    %add3A_265 = arith.constant 512 : i32
    %add3A_266 = arith.addi %sub3A_72, %add3A_265 : i32
    %get3A_267 = arith.index_cast %add3A_266 : i32 to index
    %get3A_268 = tpu.vector_load %arg6[%get3A_267] {strides = array<i32>} : memref<5120xf32, #tpu.memory_space<vmem>>, vector<16xf32>,
    %swap3A_269 = arith.constant 512 : index
    %swap3A_270 = tpu.vector_load %arg7[%swap3A_269] {strides = array<i32>} : memref<1024xf32, #tpu.memory_space<vmem>>, vector<16xf32>,
    tpu.vector_store %arg7[%swap3A_269], %get3A_268 {strides = array<i32>} : memref<1024xf32, #tpu.memory_space<vmem>>, vector<16xf32>,
    %add3A_271 = arith.constant 528 : i32
    %add3A_272 = arith.addi %sub3A_72, %add3A_271 : i32
    %get3A_273 = arith.index_cast %add3A_272 : i32 to index
    %get3A_274 = tpu.vector_load %arg6[%get3A_273] {strides = array<i32>} : memref<5120xf32, #tpu.memory_space<vmem>>, vector<16xf32>,
    %swap3A_275 = arith.constant 528 : index
    %swap3A_276 = tpu.vector_load %arg7[%swap3A_275] {strides = array<i32>} : memref<1024xf32, #tpu.memory_space<vmem>>, vector<16xf32>,
    tpu.vector_store %arg7[%swap3A_275], %get3A_274 {strides = array<i32>} : memref<1024xf32, #tpu.memory_space<vmem>>, vector<16xf32>,
    %add3A_277 = arith.constant 544 : i32
    %add3A_278 = arith.addi %sub3A_72, %add3A_277 : i32
    %get3A_279 = arith.index_cast %add3A_278 : i32 to index
    %get3A_280 = tpu.vector_load %arg6[%get3A_279] {strides = array<i32>} : memref<5120xf32, #tpu.memory_space<vmem>>, vector<16xf32>,
    %swap3A_281 = arith.constant 544 : index
    %swap3A_282 = tpu.vector_load %arg7[%swap3A_281] {strides = array<i32>} : memref<1024xf32, #tpu.memory_space<vmem>>, vector<16xf32>,
    tpu.vector_store %arg7[%swap3A_281], %get3A_280 {strides = array<i32>} : memref<1024xf32, #tpu.memory_space<vmem>>, vector<16xf32>,
    %add3A_283 = arith.constant 560 : i32
    %add3A_284 = arith.addi %sub3A_72, %add3A_283 : i32
    %get3A_285 = arith.index_cast %add3A_284 : i32 to index
    %get3A_286 = tpu.vector_load %arg6[%get3A_285] {strides = array<i32>} : memref<5120xf32, #tpu.memory_space<vmem>>, vector<16xf32>,
    %swap3A_287 = arith.constant 560 : index
    %swap3A_288 = tpu.vector_load %arg7[%swap3A_287] {strides = array<i32>} : memref<1024xf32, #tpu.memory_space<vmem>>, vector<16xf32>,
    tpu.vector_store %arg7[%swap3A_287], %get3A_286 {strides = array<i32>} : memref<1024xf32, #tpu.memory_space<vmem>>, vector<16xf32>,
    %add3A_289 = arith.constant 576 : i32
    %add3A_290 = arith.addi %sub3A_72, %add3A_289 : i32
    %get3A_291 = arith.index_cast %add3A_290 : i32 to index
    %get3A_292 = tpu.vector_load %arg6[%get3A_291] {strides = array<i32>} : memref<5120xf32, #tpu.memory_space<vmem>>, vector<16xf32>,
    %swap3A_293 = arith.constant 576 : index
    %swap3A_294 = tpu.vector_load %arg7[%swap3A_293] {strides = array<i32>} : memref<1024xf32, #tpu.memory_space<vmem>>, vector<16xf32>,
    tpu.vector_store %arg7[%swap3A_293], %get3A_292 {strides = array<i32>} : memref<1024xf32, #tpu.memory_space<vmem>>, vector<16xf32>,
    %add3A_295 = arith.constant 592 : i32
    %add3A_296 = arith.addi %sub3A_72, %add3A_295 : i32
    %get3A_297 = arith.index_cast %add3A_296 : i32 to index
    %get3A_298 = tpu.vector_load %arg6[%get3A_297] {strides = array<i32>} : memref<5120xf32, #tpu.memory_space<vmem>>, vector<16xf32>,
    %swap3A_299 = arith.constant 592 : index
    %swap3A_300 = tpu.vector_load %arg7[%swap3A_299] {strides = array<i32>} : memref<1024xf32, #tpu.memory_space<vmem>>, vector<16xf32>,
    tpu.vector_store %arg7[%swap3A_299], %get3A_298 {strides = array<i32>} : memref<1024xf32, #tpu.memory_space<vmem>>, vector<16xf32>,
    %add3A_301 = arith.constant 608 : i32
    %add3A_302 = arith.addi %sub3A_72, %add3A_301 : i32
    %get3A_303 = arith.index_cast %add3A_302 : i32 to index
    %get3A_304 = tpu.vector_load %arg6[%get3A_303] {strides = array<i32>} : memref<5120xf32, #tpu.memory_space<vmem>>, vector<16xf32>,
    %swap3A_305 = arith.constant 608 : index
    %swap3A_306 = tpu.vector_load %arg7[%swap3A_305] {strides = array<i32>} : memref<1024xf32, #tpu.memory_space<vmem>>, vector<16xf32>,
    tpu.vector_store %arg7[%swap3A_305], %get3A_304 {strides = array<i32>} : memref<1024xf32, #tpu.memory_space<vmem>>, vector<16xf32>,
    %add3A_307 = arith.constant 624 : i32
    %add3A_308 = arith.addi %sub3A_72, %add3A_307 : i32
    %get3A_309 = arith.index_cast %add3A_308 : i32 to index
    %get3A_310 = tpu.vector_load %arg6[%get3A_309] {strides = array<i32>} : memref<5120xf32, #tpu.memory_space<vmem>>, vector<16xf32>,
    %swap3A_311 = arith.constant 624 : index
    %swap3A_312 = tpu.vector_load %arg7[%swap3A_311] {strides = array<i32>} : memref<1024xf32, #tpu.memory_space<vmem>>, vector<16xf32>,
    tpu.vector_store %arg7[%swap3A_311], %get3A_310 {strides = array<i32>} : memref<1024xf32, #tpu.memory_space<vmem>>, vector<16xf32>,
    %add3A_313 = arith.constant 640 : i32
    %add3A_314 = arith.addi %sub3A_72, %add3A_313 : i32
    %get3A_315 = arith.index_cast %add3A_314 : i32 to index
    %get3A_316 = tpu.vector_load %arg6[%get3A_315] {strides = array<i32>} : memref<5120xf32, #tpu.memory_space<vmem>>, vector<16xf32>,
    %swap3A_317 = arith.constant 640 : index
    %swap3A_318 = tpu.vector_load %arg7[%swap3A_317] {strides = array<i32>} : memref<1024xf32, #tpu.memory_space<vmem>>, vector<16xf32>,
    tpu.vector_store %arg7[%swap3A_317], %get3A_316 {strides = array<i32>} : memref<1024xf32, #tpu.memory_space<vmem>>, vector<16xf32>,
    %add3A_319 = arith.constant 656 : i32
    %add3A_320 = arith.addi %sub3A_72, %add3A_319 : i32
    %get3A_321 = arith.index_cast %add3A_320 : i32 to index
    %get3A_322 = tpu.vector_load %arg6[%get3A_321] {strides = array<i32>} : memref<5120xf32, #tpu.memory_space<vmem>>, vector<16xf32>,
    %swap3A_323 = arith.constant 656 : index
    %swap3A_324 = tpu.vector_load %arg7[%swap3A_323] {strides = array<i32>} : memref<1024xf32, #tpu.memory_space<vmem>>, vector<16xf32>,
    tpu.vector_store %arg7[%swap3A_323], %get3A_322 {strides = array<i32>} : memref<1024xf32, #tpu.memory_space<vmem>>, vector<16xf32>,
    %add3A_325 = arith.constant 672 : i32
    %add3A_326 = arith.addi %sub3A_72, %add3A_325 : i32
    %get3A_327 = arith.index_cast %add3A_326 : i32 to index
    %get3A_328 = tpu.vector_load %arg6[%get3A_327] {strides = array<i32>} : memref<5120xf32, #tpu.memory_space<vmem>>, vector<16xf32>,
    %swap3A_329 = arith.constant 672 : index
    %swap3A_330 = tpu.vector_load %arg7[%swap3A_329] {strides = array<i32>} : memref<1024xf32, #tpu.memory_space<vmem>>, vector<16xf32>,
    tpu.vector_store %arg7[%swap3A_329], %get3A_328 {strides = array<i32>} : memref<1024xf32, #tpu.memory_space<vmem>>, vector<16xf32>,
    %add3A_331 = arith.constant 688 : i32
    %add3A_332 = arith.addi %sub3A_72, %add3A_331 : i32
    %get3A_333 = arith.index_cast %add3A_332 : i32 to index
    %get3A_334 = tpu.vector_load %arg6[%get3A_333] {strides = array<i32>} : memref<5120xf32, #tpu.memory_space<vmem>>, vector<16xf32>,
    %swap3A_335 = arith.constant 688 : index
    %swap3A_336 = tpu.vector_load %arg7[%swap3A_335] {strides = array<i32>} : memref<1024xf32, #tpu.memory_space<vmem>>, vector<16xf32>,
    tpu.vector_store %arg7[%swap3A_335], %get3A_334 {strides = array<i32>} : memref<1024xf32, #tpu.memory_space<vmem>>, vector<16xf32>,
    %add3A_337 = arith.constant 704 : i32
    %add3A_338 = arith.addi %sub3A_72, %add3A_337 : i32
    %get3A_339 = arith.index_cast %add3A_338 : i32 to index
    %get3A_340 = tpu.vector_load %arg6[%get3A_339] {strides = array<i32>} : memref<5120xf32, #tpu.memory_space<vmem>>, vector<16xf32>,
    %swap3A_341 = arith.constant 704 : index
    %swap3A_342 = tpu.vector_load %arg7[%swap3A_341] {strides = array<i32>} : memref<1024xf32, #tpu.memory_space<vmem>>, vector<16xf32>,
    tpu.vector_store %arg7[%swap3A_341], %get3A_340 {strides = array<i32>} : memref<1024xf32, #tpu.memory_space<vmem>>, vector<16xf32>,
    %add3A_343 = arith.constant 720 : i32
    %add3A_344 = arith.addi %sub3A_72, %add3A_343 : i32
    %get3A_345 = arith.index_cast %add3A_344 : i32 to index
    %get3A_346 = tpu.vector_load %arg6[%get3A_345] {strides = array<i32>} : memref<5120xf32, #tpu.memory_space<vmem>>, vector<16xf32>,
    %swap3A_347 = arith.constant 720 : index
    %swap3A_348 = tpu.vector_load %arg7[%swap3A_347] {strides = array<i32>} : memref<1024xf32, #tpu.memory_space<vmem>>, vector<16xf32>,
    tpu.vector_store %arg7[%swap3A_347], %get3A_346 {strides = array<i32>} : memref<1024xf32, #tpu.memory_space<vmem>>, vector<16xf32>,
    %add3A_349 = arith.constant 736 : i32
    %add3A_350 = arith.addi %sub3A_72, %add3A_349 : i32
    %get3A_351 = arith.index_cast %add3A_350 : i32 to index
    %get3A_352 = tpu.vector_load %arg6[%get3A_351] {strides = array<i32>} : memref<5120xf32, #tpu.memory_space<vmem>>, vector<16xf32>,
    %swap3A_353 = arith.constant 736 : index
    %swap3A_354 = tpu.vector_load %arg7[%swap3A_353] {strides = array<i32>} : memref<1024xf32, #tpu.memory_space<vmem>>, vector<16xf32>,
    tpu.vector_store %arg7[%swap3A_353], %get3A_352 {strides = array<i32>} : memref<1024xf32, #tpu.memory_space<vmem>>, vector<16xf32>,
    %add3A_355 = arith.constant 752 : i32
    %add3A_356 = arith.addi %sub3A_72, %add3A_355 : i32
    %get3A_357 = arith.index_cast %add3A_356 : i32 to index
    %get3A_358 = tpu.vector_load %arg6[%get3A_357] {strides = array<i32>} : memref<5120xf32, #tpu.memory_space<vmem>>, vector<16xf32>,
    %swap3A_359 = arith.constant 752 : index
    %swap3A_360 = tpu.vector_load %arg7[%swap3A_359] {strides = array<i32>} : memref<1024xf32, #tpu.memory_space<vmem>>, vector<16xf32>,
    tpu.vector_store %arg7[%swap3A_359], %get3A_358 {strides = array<i32>} : memref<1024xf32, #tpu.memory_space<vmem>>, vector<16xf32>,
    %add3A_361 = arith.constant 768 : i32
    %add3A_362 = arith.addi %sub3A_72, %add3A_361 : i32
    %get3A_363 = arith.index_cast %add3A_362 : i32 to index
    %get3A_364 = tpu.vector_load %arg6[%get3A_363] {strides = array<i32>} : memref<5120xf32, #tpu.memory_space<vmem>>, vector<16xf32>,
    %swap3A_365 = arith.constant 768 : index
    %swap3A_366 = tpu.vector_load %arg7[%swap3A_365] {strides = array<i32>} : memref<1024xf32, #tpu.memory_space<vmem>>, vector<16xf32>,
    tpu.vector_store %arg7[%swap3A_365], %get3A_364 {strides = array<i32>} : memref<1024xf32, #tpu.memory_space<vmem>>, vector<16xf32>,
    %add3A_367 = arith.constant 784 : i32
    %add3A_368 = arith.addi %sub3A_72, %add3A_367 : i32
    %get3A_369 = arith.index_cast %add3A_368 : i32 to index
    %get3A_370 = tpu.vector_load %arg6[%get3A_369] {strides = array<i32>} : memref<5120xf32, #tpu.memory_space<vmem>>, vector<16xf32>,
    %swap3A_371 = arith.constant 784 : index
    %swap3A_372 = tpu.vector_load %arg7[%swap3A_371] {strides = array<i32>} : memref<1024xf32, #tpu.memory_space<vmem>>, vector<16xf32>,
    tpu.vector_store %arg7[%swap3A_371], %get3A_370 {strides = array<i32>} : memref<1024xf32, #tpu.memory_space<vmem>>, vector<16xf32>,
    %add3A_373 = arith.constant 800 : i32
    %add3A_374 = arith.addi %sub3A_72, %add3A_373 : i32
    %get3A_375 = arith.index_cast %add3A_374 : i32 to index
    %get3A_376 = tpu.vector_load %arg6[%get3A_375] {strides = array<i32>} : memref<5120xf32, #tpu.memory_space<vmem>>, vector<16xf32>,
    %swap3A_377 = arith.constant 800 : index
    %swap3A_378 = tpu.vector_load %arg7[%swap3A_377] {strides = array<i32>} : memref<1024xf32, #tpu.memory_space<vmem>>, vector<16xf32>,
    tpu.vector_store %arg7[%swap3A_377], %get3A_376 {strides = array<i32>} : memref<1024xf32, #tpu.memory_space<vmem>>, vector<16xf32>,
    %add3A_379 = arith.constant 816 : i32
    %add3A_380 = arith.addi %sub3A_72, %add3A_379 : i32
    %get3A_381 = arith.index_cast %add3A_380 : i32 to index
    %get3A_382 = tpu.vector_load %arg6[%get3A_381] {strides = array<i32>} : memref<5120xf32, #tpu.memory_space<vmem>>, vector<16xf32>,
    %swap3A_383 = arith.constant 816 : index
    %swap3A_384 = tpu.vector_load %arg7[%swap3A_383] {strides = array<i32>} : memref<1024xf32, #tpu.memory_space<vmem>>, vector<16xf32>,
    tpu.vector_store %arg7[%swap3A_383], %get3A_382 {strides = array<i32>} : memref<1024xf32, #tpu.memory_space<vmem>>, vector<16xf32>,
    %add3A_385 = arith.constant 832 : i32
    %add3A_386 = arith.addi %sub3A_72, %add3A_385 : i32
    %get3A_387 = arith.index_cast %add3A_386 : i32 to index
    %get3A_388 = tpu.vector_load %arg6[%get3A_387] {strides = array<i32>} : memref<5120xf32, #tpu.memory_space<vmem>>, vector<16xf32>,
    %swap3A_389 = arith.constant 832 : index
    %swap3A_390 = tpu.vector_load %arg7[%swap3A_389] {strides = array<i32>} : memref<1024xf32, #tpu.memory_space<vmem>>, vector<16xf32>,
    tpu.vector_store %arg7[%swap3A_389], %get3A_388 {strides = array<i32>} : memref<1024xf32, #tpu.memory_space<vmem>>, vector<16xf32>,
    %add3A_391 = arith.constant 848 : i32
    %add3A_392 = arith.addi %sub3A_72, %add3A_391 : i32
    %get3A_393 = arith.index_cast %add3A_392 : i32 to index
    %get3A_394 = tpu.vector_load %arg6[%get3A_393] {strides = array<i32>} : memref<5120xf32, #tpu.memory_space<vmem>>, vector<16xf32>,
    %swap3A_395 = arith.constant 848 : index
    %swap3A_396 = tpu.vector_load %arg7[%swap3A_395] {strides = array<i32>} : memref<1024xf32, #tpu.memory_space<vmem>>, vector<16xf32>,
    tpu.vector_store %arg7[%swap3A_395], %get3A_394 {strides = array<i32>} : memref<1024xf32, #tpu.memory_space<vmem>>, vector<16xf32>,
    %add3A_397 = arith.constant 864 : i32
    %add3A_398 = arith.addi %sub3A_72, %add3A_397 : i32
    %get3A_399 = arith.index_cast %add3A_398 : i32 to index
    %get3A_400 = tpu.vector_load %arg6[%get3A_399] {strides = array<i32>} : memref<5120xf32, #tpu.memory_space<vmem>>, vector<16xf32>,
    %swap3A_401 = arith.constant 864 : index
    %swap3A_402 = tpu.vector_load %arg7[%swap3A_401] {strides = array<i32>} : memref<1024xf32, #tpu.memory_space<vmem>>, vector<16xf32>,
    tpu.vector_store %arg7[%swap3A_401], %get3A_400 {strides = array<i32>} : memref<1024xf32, #tpu.memory_space<vmem>>, vector<16xf32>,
    %add3A_403 = arith.constant 880 : i32
    %add3A_404 = arith.addi %sub3A_72, %add3A_403 : i32
    %get3A_405 = arith.index_cast %add3A_404 : i32 to index
    %get3A_406 = tpu.vector_load %arg6[%get3A_405] {strides = array<i32>} : memref<5120xf32, #tpu.memory_space<vmem>>, vector<16xf32>,
    %swap3A_407 = arith.constant 880 : index
    %swap3A_408 = tpu.vector_load %arg7[%swap3A_407] {strides = array<i32>} : memref<1024xf32, #tpu.memory_space<vmem>>, vector<16xf32>,
    tpu.vector_store %arg7[%swap3A_407], %get3A_406 {strides = array<i32>} : memref<1024xf32, #tpu.memory_space<vmem>>, vector<16xf32>,
    %add3A_409 = arith.constant 896 : i32
    %add3A_410 = arith.addi %sub3A_72, %add3A_409 : i32
    %get3A_411 = arith.index_cast %add3A_410 : i32 to index
    %get3A_412 = tpu.vector_load %arg6[%get3A_411] {strides = array<i32>} : memref<5120xf32, #tpu.memory_space<vmem>>, vector<16xf32>,
    %swap3A_413 = arith.constant 896 : index
    %swap3A_414 = tpu.vector_load %arg7[%swap3A_413] {strides = array<i32>} : memref<1024xf32, #tpu.memory_space<vmem>>, vector<16xf32>,
    tpu.vector_store %arg7[%swap3A_413], %get3A_412 {strides = array<i32>} : memref<1024xf32, #tpu.memory_space<vmem>>, vector<16xf32>,
    %add3A_415 = arith.constant 912 : i32
    %add3A_416 = arith.addi %sub3A_72, %add3A_415 : i32
    %get3A_417 = arith.index_cast %add3A_416 : i32 to index
    %get3A_418 = tpu.vector_load %arg6[%get3A_417] {strides = array<i32>} : memref<5120xf32, #tpu.memory_space<vmem>>, vector<16xf32>,
    %swap3A_419 = arith.constant 912 : index
    %swap3A_420 = tpu.vector_load %arg7[%swap3A_419] {strides = array<i32>} : memref<1024xf32, #tpu.memory_space<vmem>>, vector<16xf32>,
    tpu.vector_store %arg7[%swap3A_419], %get3A_418 {strides = array<i32>} : memref<1024xf32, #tpu.memory_space<vmem>>, vector<16xf32>,
    %add3A_421 = arith.constant 928 : i32
    %add3A_422 = arith.addi %sub3A_72, %add3A_421 : i32
    %get3A_423 = arith.index_cast %add3A_422 : i32 to index
    %get3A_424 = tpu.vector_load %arg6[%get3A_423] {strides = array<i32>} : memref<5120xf32, #tpu.memory_space<vmem>>, vector<16xf32>,
    %swap3A_425 = arith.constant 928 : index
    %swap3A_426 = tpu.vector_load %arg7[%swap3A_425] {strides = array<i32>} : memref<1024xf32, #tpu.memory_space<vmem>>, vector<16xf32>,
    tpu.vector_store %arg7[%swap3A_425], %get3A_424 {strides = array<i32>} : memref<1024xf32, #tpu.memory_space<vmem>>, vector<16xf32>,
    %add3A_427 = arith.constant 944 : i32
    %add3A_428 = arith.addi %sub3A_72, %add3A_427 : i32
    %get3A_429 = arith.index_cast %add3A_428 : i32 to index
    %get3A_430 = tpu.vector_load %arg6[%get3A_429] {strides = array<i32>} : memref<5120xf32, #tpu.memory_space<vmem>>, vector<16xf32>,
    %swap3A_431 = arith.constant 944 : index
    %swap3A_432 = tpu.vector_load %arg7[%swap3A_431] {strides = array<i32>} : memref<1024xf32, #tpu.memory_space<vmem>>, vector<16xf32>,
    tpu.vector_store %arg7[%swap3A_431], %get3A_430 {strides = array<i32>} : memref<1024xf32, #tpu.memory_space<vmem>>, vector<16xf32>,
    %add3A_433 = arith.constant 960 : i32
    %add3A_434 = arith.addi %sub3A_72, %add3A_433 : i32
    %get3A_435 = arith.index_cast %add3A_434 : i32 to index
    %get3A_436 = tpu.vector_load %arg6[%get3A_435] {strides = array<i32>} : memref<5120xf32, #tpu.memory_space<vmem>>, vector<16xf32>,
    %swap3A_437 = arith.constant 960 : index
    %swap3A_438 = tpu.vector_load %arg7[%swap3A_437] {strides = array<i32>} : memref<1024xf32, #tpu.memory_space<vmem>>, vector<16xf32>,
    tpu.vector_store %arg7[%swap3A_437], %get3A_436 {strides = array<i32>} : memref<1024xf32, #tpu.memory_space<vmem>>, vector<16xf32>,
    %add3A_439 = arith.constant 976 : i32
    %add3A_440 = arith.addi %sub3A_72, %add3A_439 : i32
    %get3A_441 = arith.index_cast %add3A_440 : i32 to index
    %get3A_442 = tpu.vector_load %arg6[%get3A_441] {strides = array<i32>} : memref<5120xf32, #tpu.memory_space<vmem>>, vector<16xf32>,
    %swap3A_443 = arith.constant 976 : index
    %swap3A_444 = tpu.vector_load %arg7[%swap3A_443] {strides = array<i32>} : memref<1024xf32, #tpu.memory_space<vmem>>, vector<16xf32>,
    tpu.vector_store %arg7[%swap3A_443], %get3A_442 {strides = array<i32>} : memref<1024xf32, #tpu.memory_space<vmem>>, vector<16xf32>,
    %add3A_445 = arith.constant 992 : i32
    %add3A_446 = arith.addi %sub3A_72, %add3A_445 : i32
    %get3A_447 = arith.index_cast %add3A_446 : i32 to index
    %get3A_448 = tpu.vector_load %arg6[%get3A_447] {strides = array<i32>} : memref<5120xf32, #tpu.memory_space<vmem>>, vector<16xf32>,
    %swap3A_449 = arith.constant 992 : index
    %swap3A_450 = tpu.vector_load %arg7[%swap3A_449] {strides = array<i32>} : memref<1024xf32, #tpu.memory_space<vmem>>, vector<16xf32>,
    tpu.vector_store %arg7[%swap3A_449], %get3A_448 {strides = array<i32>} : memref<1024xf32, #tpu.memory_space<vmem>>, vector<16xf32>,
    %add3A_451 = arith.constant 1008 : i32
    %add3A_452 = arith.addi %sub3A_72, %add3A_451 : i32
    %get3A_453 = arith.index_cast %add3A_452 : i32 to index
    %get3A_454 = tpu.vector_load %arg6[%get3A_453] {strides = array<i32>} : memref<5120xf32, #tpu.memory_space<vmem>>, vector<16xf32>,
    %swap3A_455 = arith.constant 1008 : index
    %swap3A_456 = tpu.vector_load %arg7[%swap3A_455] {strides = array<i32>} : memref<1024xf32, #tpu.memory_space<vmem>>, vector<16xf32>,
    tpu.vector_store %arg7[%swap3A_455], %get3A_454 {strides = array<i32>} : memref<1024xf32, #tpu.memory_space<vmem>>, vector<16xf32>,
    %scan3A = arith.constant 0 : i32
    %scan3A_457 = arith.constant 0 : i32
    %scan3A_458 = arith.constant 16 : i32
    %scan3A_459 = arith.addi %scan3A_457, %scan3A_458 : i32
    %scan3A_460 = arith.constant 1 : i32
    scf.for %scan3A_462 = %scan3A_457 to %scan3A_459 step %scan3A_460  : i32 {
      %broadcast_in_dim3A_463 = arith.constant 0 : i32
      %broadcast_in_dim3A_464 = vector.broadcast %broadcast_in_dim3A_463 : i32 to vector<16xi32>
      %add3A_465 = vector.broadcast %scan3A_462 : i32 to vector<16xi32>
      %add3A_466 = arith.addi %broadcast_in_dim3A_464, %add3A_465 : vector<16xi32>
      %gather3A_467 = tpu.vector_load_idx %arg8[%add3A_466] : memref<16xi32, #tpu.memory_space<vmem>>[vector<16xi32>], vector<16xi32>,
      %slice3A = vector.extract_strided_slice %gather3A_467 {offsets = [0], sizes = [1], strides = [1]} : vector<16xi32> to vector<1xi32>
      %squeeze3A = vector.extract %slice3A[0] : i32 from vector<1xi32>
      %gather3A_468 = tpu.vector_load_idx %arg9[%add3A_466] : memref<16xi32, #tpu.memory_space<vmem>>[vector<16xi32>], vector<16xi32>,
      %slice3A_469 = vector.extract_strided_slice %gather3A_468 {offsets = [0], sizes = [1], strides = [1]} : vector<16xi32> to vector<1xi32>
      %squeeze3A_470 = vector.extract %slice3A_469[0] : i32 from vector<1xi32>
      %lt3A = arith.cmpi slt, %squeeze3A, %add3A_66 : i32
      %gt3A = arith.cmpi sgt, %squeeze3A_470, %mul3A_64 : i32
      %and3A = arith.andi %lt3A, %gt3A : i1
      %convert_element_type3A = arith.extui %and3A : i1 to i32
      %cond3A = arith.constant 0 : i32
      %cond3A_471 = arith.cmpi ne, %convert_element_type3A, %cond3A : i32
      scf.if %cond3A_471 {
        %shift_right_arithmetic3A = arith.constant 4 : i32
        %shift_right_arithmetic3A_472 = arith.shrsi %squeeze3A, %shift_right_arithmetic3A : i32
        %add3A_473 = arith.constant 15 : i32
        %add3A_474 = arith.addi %squeeze3A_470, %add3A_473 : i32
        %shift_right_arithmetic3A_475 = arith.constant 4 : i32
        %shift_right_arithmetic3A_476 = arith.shrsi %add3A_474, %shift_right_arithmetic3A_475 : i32
        %add3A_477 = arith.constant 15 : i32
        %add3A_478 = arith.addi %squeeze3A, %add3A_477 : i32
        %shift_right_arithmetic3A_479 = arith.constant 4 : i32
        %shift_right_arithmetic3A_480 = arith.shrsi %add3A_478, %shift_right_arithmetic3A_479 : i32
        %shift_right_arithmetic3A_481 = arith.constant 4 : i32
        %shift_right_arithmetic3A_482 = arith.shrsi %squeeze3A_470, %shift_right_arithmetic3A_481 : i32
        %max3A_483 = arith.maxsi %shift_right_arithmetic3A_482, %shift_right_arithmetic3A_480 : i32
        %min3A_484 = arith.minsi %shift_right_arithmetic3A_480, %shift_right_arithmetic3A_476 : i32
        %broadcast_in_dim3A_485 = arith.constant 0.000000e+00 : f32
        %broadcast_in_dim3A_486 = vector.broadcast %broadcast_in_dim3A_485 : f32 to vector<16xf32>
        %while3A = arith.subi %min3A_484, %shift_right_arithmetic3A_472 : i32
        %while3A_487 = arith.addi %shift_right_arithmetic3A_472, %while3A : i32
        %while3A_488 = arith.constant 1 : i32
        %while3A_489 = arith.divsi %while3A, %while3A_488 : i32
        %while3A_490 = arith.muli %while3A_489, %while3A_488 : i32
        %while3A_491 = arith.addi %shift_right_arithmetic3A_472, %while3A_490 : i32
        %while3A_492 = arith.constant 1 : i32
        %while3A_493 = scf.for %while3A_605 = %shift_right_arithmetic3A_472 to %while3A_491 step %while3A_492 iter_args(%while3A_606 = %broadcast_in_dim3A_486) -> (vector<16xf32>)  : i32 {
          %mul3A_607 = arith.constant 16 : i32
          %mul3A_608 = arith.muli %while3A_605, %mul3A_607 : i32
          %add3A_609 = vector.broadcast %mul3A_608 : i32 to vector<16xi32>
          %add3A_610 = arith.addi %add3A_609, %iota3A : vector<16xi32>
          %mul3A_611 = arith.constant 16 : i32
          %mul3A_612 = arith.muli %while3A_605, %mul3A_611 : i32
          %sub3A_613 = arith.subi %mul3A_612, %multiple_of3A : i32
          %get3A_614 = arith.index_cast %sub3A_613 : i32 to index
          %get3A_615 = tpu.vector_load %arg6[%get3A_614] {strides = array<i32>} : memref<5120xf32, #tpu.memory_space<vmem>>, vector<16xf32>,
          %ge3A_616 = vector.broadcast %squeeze3A : i32 to vector<16xi32>
          %ge3A_617 = arith.cmpi sge, %add3A_610, %ge3A_616 : vector<16xi32>
          %lt3A_618 = vector.broadcast %squeeze3A_470 : i32 to vector<16xi32>
          %lt3A_619 = arith.cmpi slt, %add3A_610, %lt3A_618 : vector<16xi32>
          %and3A_620 = arith.andi %ge3A_617, %lt3A_619 : vector<16xi1>
          %exp3A = math.exp %get3A_615 : vector<16xf32>
          %jit3A_621 = arith.constant 0.000000e+00 : f32
          %broadcast_in_dim3A_622 = vector.broadcast %jit3A_621 : f32 to vector<16xf32>
          %select_n3A_623 = arith.select %and3A_620, %exp3A, %broadcast_in_dim3A_622 : vector<16xi1>, vector<16xf32>
          %add3A_624 = arith.addf %while3A_606, %select_n3A_623 : vector<16xf32>
          scf.yield %add3A_624 : vector<16xf32>
        }
        %while3A_494 = arith.constant 1 : i32
        %while3A_495 = scf.for %while3A_605 = %while3A_491 to %while3A_487 step %while3A_494 iter_args(%while3A_606 = %while3A_493) -> (vector<16xf32>)  : i32 {
          %mul3A_607 = arith.constant 16 : i32
          %mul3A_608 = arith.muli %while3A_605, %mul3A_607 : i32
          %add3A_609 = vector.broadcast %mul3A_608 : i32 to vector<16xi32>
          %add3A_610 = arith.addi %add3A_609, %iota3A : vector<16xi32>
          %mul3A_611 = arith.constant 16 : i32
          %mul3A_612 = arith.muli %while3A_605, %mul3A_611 : i32
          %sub3A_613 = arith.subi %mul3A_612, %multiple_of3A : i32
          %get3A_614 = arith.index_cast %sub3A_613 : i32 to index
          %get3A_615 = tpu.vector_load %arg6[%get3A_614] {strides = array<i32>} : memref<5120xf32, #tpu.memory_space<vmem>>, vector<16xf32>,
          %ge3A_616 = vector.broadcast %squeeze3A : i32 to vector<16xi32>
          %ge3A_617 = arith.cmpi sge, %add3A_610, %ge3A_616 : vector<16xi32>
          %lt3A_618 = vector.broadcast %squeeze3A_470 : i32 to vector<16xi32>
          %lt3A_619 = arith.cmpi slt, %add3A_610, %lt3A_618 : vector<16xi32>
          %and3A_620 = arith.andi %ge3A_617, %lt3A_619 : vector<16xi1>
          %exp3A = math.exp %get3A_615 : vector<16xf32>
          %jit3A_621 = arith.constant 0.000000e+00 : f32
          %broadcast_in_dim3A_622 = vector.broadcast %jit3A_621 : f32 to vector<16xf32>
          %select_n3A_623 = arith.select %and3A_620, %exp3A, %broadcast_in_dim3A_622 : vector<16xi1>, vector<16xf32>
          %add3A_624 = arith.addf %while3A_606, %select_n3A_623 : vector<16xf32>
          scf.yield %add3A_624 : vector<16xf32>
        }
        %sub3A_496 = arith.subi %max3A_483, %shift_right_arithmetic3A_480 : i32
        %shift_right_arithmetic3A_497 = arith.constant 2 : i32
        %shift_right_arithmetic3A_498 = arith.shrsi %sub3A_496, %shift_right_arithmetic3A_497 : i32
        %while3A_499 = arith.constant 0 : i32
        %while3A_500 = arith.subi %shift_right_arithmetic3A_498, %while3A_499 : i32
        %while3A_501 = arith.addi %while3A_499, %while3A_500 : i32
        %while3A_502 = arith.constant 1 : i32
        %while3A_503 = arith.divsi %while3A_500, %while3A_502 : i32
        %while3A_504 = arith.muli %while3A_503, %while3A_502 : i32
        %while3A_505 = arith.addi %while3A_499, %while3A_504 : i32
        %while3A_506 = arith.constant 1 : i32
        %while3A_507 = scf.for %while3A_605 = %while3A_499 to %while3A_505 step %while3A_506 iter_args(%while3A_606 = %while3A_495) -> (vector<16xf32>)  : i32 {
          %mul3A_607 = arith.constant 4 : i32
          %mul3A_608 = arith.muli %while3A_605, %mul3A_607 : i32
          %add3A_609 = arith.addi %shift_right_arithmetic3A_480, %mul3A_608 : i32
          %mul3A_610 = arith.constant 16 : i32
          %mul3A_611 = arith.muli %add3A_609, %mul3A_610 : i32
          %sub3A_612 = arith.subi %mul3A_611, %multiple_of3A : i32
          %get3A_613 = arith.index_cast %sub3A_612 : i32 to index
          %get3A_614 = tpu.vector_load %arg6[%get3A_613] {strides = array<i32>} : memref<5120xf32, #tpu.memory_space<vmem>>, vector<16xf32>,
          %exp3A = math.exp %get3A_614 : vector<16xf32>
          %add3A_615 = arith.constant 16 : i32
          %add3A_616 = arith.addi %sub3A_612, %add3A_615 : i32
          %get3A_617 = arith.index_cast %add3A_616 : i32 to index
          %get3A_618 = tpu.vector_load %arg6[%get3A_617] {strides = array<i32>} : memref<5120xf32, #tpu.memory_space<vmem>>, vector<16xf32>,
          %exp3A_619 = math.exp %get3A_618 : vector<16xf32>
          %add3A_620 = arith.constant 32 : i32
          %add3A_621 = arith.addi %sub3A_612, %add3A_620 : i32
          %get3A_622 = arith.index_cast %add3A_621 : i32 to index
          %get3A_623 = tpu.vector_load %arg6[%get3A_622] {strides = array<i32>} : memref<5120xf32, #tpu.memory_space<vmem>>, vector<16xf32>,
          %exp3A_624 = math.exp %get3A_623 : vector<16xf32>
          %add3A_625 = arith.constant 48 : i32
          %add3A_626 = arith.addi %sub3A_612, %add3A_625 : i32
          %get3A_627 = arith.index_cast %add3A_626 : i32 to index
          %get3A_628 = tpu.vector_load %arg6[%get3A_627] {strides = array<i32>} : memref<5120xf32, #tpu.memory_space<vmem>>, vector<16xf32>,
          %exp3A_629 = math.exp %get3A_628 : vector<16xf32>
          %add3A_630 = arith.addf %exp3A, %exp3A_619 : vector<16xf32>
          %add3A_631 = arith.addf %exp3A_624, %exp3A_629 : vector<16xf32>
          %add3A_632 = arith.addf %add3A_630, %add3A_631 : vector<16xf32>
          %add3A_633 = arith.addf %while3A_606, %add3A_632 : vector<16xf32>
          scf.yield %add3A_633 : vector<16xf32>
        }
        %while3A_508 = arith.constant 1 : i32
        %while3A_509 = scf.for %while3A_605 = %while3A_505 to %while3A_501 step %while3A_508 iter_args(%while3A_606 = %while3A_507) -> (vector<16xf32>)  : i32 {
          %mul3A_607 = arith.constant 4 : i32
          %mul3A_608 = arith.muli %while3A_605, %mul3A_607 : i32
          %add3A_609 = arith.addi %shift_right_arithmetic3A_480, %mul3A_608 : i32
          %mul3A_610 = arith.constant 16 : i32
          %mul3A_611 = arith.muli %add3A_609, %mul3A_610 : i32
          %sub3A_612 = arith.subi %mul3A_611, %multiple_of3A : i32
          %get3A_613 = arith.index_cast %sub3A_612 : i32 to index
          %get3A_614 = tpu.vector_load %arg6[%get3A_613] {strides = array<i32>} : memref<5120xf32, #tpu.memory_space<vmem>>, vector<16xf32>,
          %exp3A = math.exp %get3A_614 : vector<16xf32>
          %add3A_615 = arith.constant 16 : i32
          %add3A_616 = arith.addi %sub3A_612, %add3A_615 : i32
          %get3A_617 = arith.index_cast %add3A_616 : i32 to index
          %get3A_618 = tpu.vector_load %arg6[%get3A_617] {strides = array<i32>} : memref<5120xf32, #tpu.memory_space<vmem>>, vector<16xf32>,
          %exp3A_619 = math.exp %get3A_618 : vector<16xf32>
          %add3A_620 = arith.constant 32 : i32
          %add3A_621 = arith.addi %sub3A_612, %add3A_620 : i32
          %get3A_622 = arith.index_cast %add3A_621 : i32 to index
          %get3A_623 = tpu.vector_load %arg6[%get3A_622] {strides = array<i32>} : memref<5120xf32, #tpu.memory_space<vmem>>, vector<16xf32>,
          %exp3A_624 = math.exp %get3A_623 : vector<16xf32>
          %add3A_625 = arith.constant 48 : i32
          %add3A_626 = arith.addi %sub3A_612, %add3A_625 : i32
          %get3A_627 = arith.index_cast %add3A_626 : i32 to index
          %get3A_628 = tpu.vector_load %arg6[%get3A_627] {strides = array<i32>} : memref<5120xf32, #tpu.memory_space<vmem>>, vector<16xf32>,
          %exp3A_629 = math.exp %get3A_628 : vector<16xf32>
          %add3A_630 = arith.addf %exp3A, %exp3A_619 : vector<16xf32>
          %add3A_631 = arith.addf %exp3A_624, %exp3A_629 : vector<16xf32>
          %add3A_632 = arith.addf %add3A_630, %add3A_631 : vector<16xf32>
          %add3A_633 = arith.addf %while3A_606, %add3A_632 : vector<16xf32>
          scf.yield %add3A_633 : vector<16xf32>
        }
        %and3A_510 = arith.constant -4 : i32
        %and3A_511 = arith.andi %sub3A_496, %and3A_510 : i32
        %add3A_512 = arith.addi %shift_right_arithmetic3A_480, %and3A_511 : i32
        %while3A_513 = arith.subi %max3A_483, %add3A_512 : i32
        %while3A_514 = arith.addi %add3A_512, %while3A_513 : i32
        %while3A_515 = arith.constant 1 : i32
        %while3A_516 = arith.divsi %while3A_513, %while3A_515 : i32
        %while3A_517 = arith.muli %while3A_516, %while3A_515 : i32
        %while3A_518 = arith.addi %add3A_512, %while3A_517 : i32
        %while3A_519 = arith.constant 1 : i32
        %while3A_520 = scf.for %while3A_605 = %add3A_512 to %while3A_518 step %while3A_519 iter_args(%while3A_606 = %while3A_509) -> (vector<16xf32>)  : i32 {
          %mul3A_607 = arith.constant 16 : i32
          %mul3A_608 = arith.muli %while3A_605, %mul3A_607 : i32
          %sub3A_609 = arith.subi %mul3A_608, %multiple_of3A : i32
          %get3A_610 = arith.index_cast %sub3A_609 : i32 to index
          %get3A_611 = tpu.vector_load %arg6[%get3A_610] {strides = array<i32>} : memref<5120xf32, #tpu.memory_space<vmem>>, vector<16xf32>,
          %exp3A = math.exp %get3A_611 : vector<16xf32>
          %add3A_612 = arith.addf %while3A_606, %exp3A : vector<16xf32>
          scf.yield %add3A_612 : vector<16xf32>
        }
        %while3A_521 = arith.constant 1 : i32
        %while3A_522 = scf.for %while3A_605 = %while3A_518 to %while3A_514 step %while3A_521 iter_args(%while3A_606 = %while3A_520) -> (vector<16xf32>)  : i32 {
          %mul3A_607 = arith.constant 16 : i32
          %mul3A_608 = arith.muli %while3A_605, %mul3A_607 : i32
          %sub3A_609 = arith.subi %mul3A_608, %multiple_of3A : i32
          %get3A_610 = arith.index_cast %sub3A_609 : i32 to index
          %get3A_611 = tpu.vector_load %arg6[%get3A_610] {strides = array<i32>} : memref<5120xf32, #tpu.memory_space<vmem>>, vector<16xf32>,
          %exp3A = math.exp %get3A_611 : vector<16xf32>
          %add3A_612 = arith.addf %while3A_606, %exp3A : vector<16xf32>
          scf.yield %add3A_612 : vector<16xf32>
        }
        %while3A_523 = arith.subi %shift_right_arithmetic3A_476, %max3A_483 : i32
        %while3A_524 = arith.addi %max3A_483, %while3A_523 : i32
        %while3A_525 = arith.constant 1 : i32
        %while3A_526 = arith.divsi %while3A_523, %while3A_525 : i32
        %while3A_527 = arith.muli %while3A_526, %while3A_525 : i32
        %while3A_528 = arith.addi %max3A_483, %while3A_527 : i32
        %while3A_529 = arith.constant 1 : i32
        %while3A_530 = scf.for %while3A_605 = %max3A_483 to %while3A_528 step %while3A_529 iter_args(%while3A_606 = %while3A_522) -> (vector<16xf32>)  : i32 {
          %mul3A_607 = arith.constant 16 : i32
          %mul3A_608 = arith.muli %while3A_605, %mul3A_607 : i32
          %add3A_609 = vector.broadcast %mul3A_608 : i32 to vector<16xi32>
          %add3A_610 = arith.addi %add3A_609, %iota3A : vector<16xi32>
          %mul3A_611 = arith.constant 16 : i32
          %mul3A_612 = arith.muli %while3A_605, %mul3A_611 : i32
          %sub3A_613 = arith.subi %mul3A_612, %multiple_of3A : i32
          %get3A_614 = arith.index_cast %sub3A_613 : i32 to index
          %get3A_615 = tpu.vector_load %arg6[%get3A_614] {strides = array<i32>} : memref<5120xf32, #tpu.memory_space<vmem>>, vector<16xf32>,
          %ge3A_616 = vector.broadcast %squeeze3A : i32 to vector<16xi32>
          %ge3A_617 = arith.cmpi sge, %add3A_610, %ge3A_616 : vector<16xi32>
          %lt3A_618 = vector.broadcast %squeeze3A_470 : i32 to vector<16xi32>
          %lt3A_619 = arith.cmpi slt, %add3A_610, %lt3A_618 : vector<16xi32>
          %and3A_620 = arith.andi %ge3A_617, %lt3A_619 : vector<16xi1>
          %exp3A = math.exp %get3A_615 : vector<16xf32>
          %jit3A_621 = arith.constant 0.000000e+00 : f32
          %broadcast_in_dim3A_622 = vector.broadcast %jit3A_621 : f32 to vector<16xf32>
          %select_n3A_623 = arith.select %and3A_620, %exp3A, %broadcast_in_dim3A_622 : vector<16xi1>, vector<16xf32>
          %add3A_624 = arith.addf %while3A_606, %select_n3A_623 : vector<16xf32>
          scf.yield %add3A_624 : vector<16xf32>
        }
        %while3A_531 = arith.constant 1 : i32
        %while3A_532 = scf.for %while3A_605 = %while3A_528 to %while3A_524 step %while3A_531 iter_args(%while3A_606 = %while3A_530) -> (vector<16xf32>)  : i32 {
          %mul3A_607 = arith.constant 16 : i32
          %mul3A_608 = arith.muli %while3A_605, %mul3A_607 : i32
          %add3A_609 = vector.broadcast %mul3A_608 : i32 to vector<16xi32>
          %add3A_610 = arith.addi %add3A_609, %iota3A : vector<16xi32>
          %mul3A_611 = arith.constant 16 : i32
          %mul3A_612 = arith.muli %while3A_605, %mul3A_611 : i32
          %sub3A_613 = arith.subi %mul3A_612, %multiple_of3A : i32
          %get3A_614 = arith.index_cast %sub3A_613 : i32 to index
          %get3A_615 = tpu.vector_load %arg6[%get3A_614] {strides = array<i32>} : memref<5120xf32, #tpu.memory_space<vmem>>, vector<16xf32>,
          %ge3A_616 = vector.broadcast %squeeze3A : i32 to vector<16xi32>
          %ge3A_617 = arith.cmpi sge, %add3A_610, %ge3A_616 : vector<16xi32>
          %lt3A_618 = vector.broadcast %squeeze3A_470 : i32 to vector<16xi32>
          %lt3A_619 = arith.cmpi slt, %add3A_610, %lt3A_618 : vector<16xi32>
          %and3A_620 = arith.andi %ge3A_617, %lt3A_619 : vector<16xi1>
          %exp3A = math.exp %get3A_615 : vector<16xf32>
          %jit3A_621 = arith.constant 0.000000e+00 : f32
          %broadcast_in_dim3A_622 = vector.broadcast %jit3A_621 : f32 to vector<16xf32>
          %select_n3A_623 = arith.select %and3A_620, %exp3A, %broadcast_in_dim3A_622 : vector<16xi1>, vector<16xf32>
          %add3A_624 = arith.addf %while3A_606, %select_n3A_623 : vector<16xf32>
          scf.yield %add3A_624 : vector<16xf32>
        }
        %swap3A_533 = arith.constant 0 : index
        %swap3A_534 = tpu.vector_load %arg10[%swap3A_533] {strides = array<i32>} : memref<16xf32, #tpu.memory_space<vmem>>, vector<16xf32>,
        tpu.vector_store %arg10[%swap3A_533], %while3A_532 {strides = array<i32>} : memref<16xf32, #tpu.memory_space<vmem>>, vector<16xf32>,
        %xor3A = arith.constant 1 : i32
        %xor3A_535 = vector.broadcast %xor3A : i32 to vector<16xi32>
        %xor3A_536 = arith.xori %iota3A, %xor3A_535 : vector<16xi32>
        %gather3A_537 = tpu.vector_load_idx %arg10[%xor3A_536] : memref<16xf32, #tpu.memory_space<vmem>>[vector<16xi32>], vector<16xf32>,
        %add3A_538 = arith.addf %while3A_532, %gather3A_537 : vector<16xf32>
        %swap3A_539 = arith.constant 0 : index
        %swap3A_540 = tpu.vector_load %arg10[%swap3A_539] {strides = array<i32>} : memref<16xf32, #tpu.memory_space<vmem>>, vector<16xf32>,
        tpu.vector_store %arg10[%swap3A_539], %add3A_538 {strides = array<i32>} : memref<16xf32, #tpu.memory_space<vmem>>, vector<16xf32>,
        %xor3A_541 = arith.constant 2 : i32
        %xor3A_542 = vector.broadcast %xor3A_541 : i32 to vector<16xi32>
        %xor3A_543 = arith.xori %iota3A, %xor3A_542 : vector<16xi32>
        %gather3A_544 = tpu.vector_load_idx %arg10[%xor3A_543] : memref<16xf32, #tpu.memory_space<vmem>>[vector<16xi32>], vector<16xf32>,
        %add3A_545 = arith.addf %add3A_538, %gather3A_544 : vector<16xf32>
        %swap3A_546 = arith.constant 0 : index
        %swap3A_547 = tpu.vector_load %arg10[%swap3A_546] {strides = array<i32>} : memref<16xf32, #tpu.memory_space<vmem>>, vector<16xf32>,
        tpu.vector_store %arg10[%swap3A_546], %add3A_545 {strides = array<i32>} : memref<16xf32, #tpu.memory_space<vmem>>, vector<16xf32>,
        %xor3A_548 = arith.constant 4 : i32
        %xor3A_549 = vector.broadcast %xor3A_548 : i32 to vector<16xi32>
        %xor3A_550 = arith.xori %iota3A, %xor3A_549 : vector<16xi32>
        %gather3A_551 = tpu.vector_load_idx %arg10[%xor3A_550] : memref<16xf32, #tpu.memory_space<vmem>>[vector<16xi32>], vector<16xf32>,
        %add3A_552 = arith.addf %add3A_545, %gather3A_551 : vector<16xf32>
        %swap3A_553 = arith.constant 0 : index
        %swap3A_554 = tpu.vector_load %arg10[%swap3A_553] {strides = array<i32>} : memref<16xf32, #tpu.memory_space<vmem>>, vector<16xf32>,
        tpu.vector_store %arg10[%swap3A_553], %add3A_552 {strides = array<i32>} : memref<16xf32, #tpu.memory_space<vmem>>, vector<16xf32>,
        %xor3A_555 = arith.constant 8 : i32
        %xor3A_556 = vector.broadcast %xor3A_555 : i32 to vector<16xi32>
        %xor3A_557 = arith.xori %iota3A, %xor3A_556 : vector<16xi32>
        %gather3A_558 = tpu.vector_load_idx %arg10[%xor3A_557] : memref<16xf32, #tpu.memory_space<vmem>>[vector<16xi32>], vector<16xf32>,
        %add3A_559 = arith.addf %add3A_552, %gather3A_558 : vector<16xf32>
        %div3A = arith.constant 1.000000e+00 : f32
        %div3A_560 = vector.broadcast %div3A : f32 to vector<16xf32>
        %div3A_561 = arith.divf %div3A_560, %add3A_559 : vector<16xf32>
        %max3A_562 = arith.maxsi %squeeze3A, %mul3A_64 : i32
        %min3A_563 = arith.minsi %squeeze3A_470, %add3A_66 : i32
        %shift_right_arithmetic3A_564 = arith.constant 4 : i32
        %shift_right_arithmetic3A_565 = arith.shrsi %max3A_562, %shift_right_arithmetic3A_564 : i32
        %add3A_566 = arith.constant 15 : i32
        %add3A_567 = arith.addi %min3A_563, %add3A_566 : i32
        %shift_right_arithmetic3A_568 = arith.constant 4 : i32
        %shift_right_arithmetic3A_569 = arith.shrsi %add3A_567, %shift_right_arithmetic3A_568 : i32
        %add3A_570 = arith.constant 15 : i32
        %add3A_571 = arith.addi %max3A_562, %add3A_570 : i32
        %shift_right_arithmetic3A_572 = arith.constant 4 : i32
        %shift_right_arithmetic3A_573 = arith.shrsi %add3A_571, %shift_right_arithmetic3A_572 : i32
        %shift_right_arithmetic3A_574 = arith.constant 4 : i32
        %shift_right_arithmetic3A_575 = arith.shrsi %min3A_563, %shift_right_arithmetic3A_574 : i32
        %max3A_576 = arith.maxsi %shift_right_arithmetic3A_575, %shift_right_arithmetic3A_573 : i32
        %min3A_577 = arith.minsi %shift_right_arithmetic3A_573, %shift_right_arithmetic3A_569 : i32
        %while3A_578 = arith.constant 0 : i32
        %while3A_579 = arith.subi %min3A_577, %shift_right_arithmetic3A_565 : i32
        %while3A_580 = arith.addi %shift_right_arithmetic3A_565, %while3A_579 : i32
        %while3A_581 = arith.constant 1 : i32
        %while3A_582 = arith.divsi %while3A_579, %while3A_581 : i32
        %while3A_583 = arith.muli %while3A_582, %while3A_581 : i32
        %while3A_584 = arith.addi %shift_right_arithmetic3A_565, %while3A_583 : i32
        %while3A_585 = arith.constant 1 : i32
        scf.for %while3A_605 = %shift_right_arithmetic3A_565 to %while3A_584 step %while3A_585  : i32 {
          %mul3A_606 = arith.constant 16 : i32
          %mul3A_607 = arith.muli %while3A_605, %mul3A_606 : i32
          %add3A_608 = vector.broadcast %mul3A_607 : i32 to vector<16xi32>
          %add3A_609 = arith.addi %add3A_608, %iota3A : vector<16xi32>
          %mul3A_610 = arith.constant 16 : i32
          %mul3A_611 = arith.muli %while3A_605, %mul3A_610 : i32
          %sub3A_612 = arith.subi %mul3A_611, %multiple_of3A : i32
          %get3A_613 = arith.index_cast %sub3A_612 : i32 to index
          %get3A_614 = tpu.vector_load %arg6[%get3A_613] {strides = array<i32>} : memref<5120xf32, #tpu.memory_space<vmem>>, vector<16xf32>,
          %ge3A_615 = vector.broadcast %squeeze3A : i32 to vector<16xi32>
          %ge3A_616 = arith.cmpi sge, %add3A_609, %ge3A_615 : vector<16xi32>
          %lt3A_617 = vector.broadcast %squeeze3A_470 : i32 to vector<16xi32>
          %lt3A_618 = arith.cmpi slt, %add3A_609, %lt3A_617 : vector<16xi32>
          %and3A_619 = arith.andi %ge3A_616, %lt3A_618 : vector<16xi1>
          %mul3A_620 = arith.constant 16 : i32
          %mul3A_621 = arith.muli %while3A_605, %mul3A_620 : i32
          %sub3A_622 = arith.subi %mul3A_621, %mul3A_64 : i32
          %get3A_623 = arith.index_cast %sub3A_622 : i32 to index
          %get3A_624 = tpu.vector_load %arg7[%get3A_623] {strides = array<i32>} : memref<1024xf32, #tpu.memory_space<vmem>>, vector<16xf32>,
          %exp3A = math.exp %get3A_614 : vector<16xf32>
          %mul3A_625 = arith.mulf %exp3A, %div3A_561 : vector<16xf32>
          %select_n3A_626 = arith.select %and3A_619, %mul3A_625, %get3A_624 : vector<16xi1>, vector<16xf32>
          %mul3A_627 = arith.constant 16 : i32
          %mul3A_628 = arith.muli %while3A_605, %mul3A_627 : i32
          %sub3A_629 = arith.subi %mul3A_628, %mul3A_64 : i32
          %swap3A_630 = arith.index_cast %sub3A_629 : i32 to index
          %swap3A_631 = tpu.vector_load %arg7[%swap3A_630] {strides = array<i32>} : memref<1024xf32, #tpu.memory_space<vmem>>, vector<16xf32>,
          tpu.vector_store %arg7[%swap3A_630], %select_n3A_626 {strides = array<i32>} : memref<1024xf32, #tpu.memory_space<vmem>>, vector<16xf32>,
        }
        %while3A_586 = arith.constant 1 : i32
        scf.for %while3A_605 = %while3A_584 to %while3A_580 step %while3A_586  : i32 {
          %mul3A_606 = arith.constant 16 : i32
          %mul3A_607 = arith.muli %while3A_605, %mul3A_606 : i32
          %add3A_608 = vector.broadcast %mul3A_607 : i32 to vector<16xi32>
          %add3A_609 = arith.addi %add3A_608, %iota3A : vector<16xi32>
          %mul3A_610 = arith.constant 16 : i32
          %mul3A_611 = arith.muli %while3A_605, %mul3A_610 : i32
          %sub3A_612 = arith.subi %mul3A_611, %multiple_of3A : i32
          %get3A_613 = arith.index_cast %sub3A_612 : i32 to index
          %get3A_614 = tpu.vector_load %arg6[%get3A_613] {strides = array<i32>} : memref<5120xf32, #tpu.memory_space<vmem>>, vector<16xf32>,
          %ge3A_615 = vector.broadcast %squeeze3A : i32 to vector<16xi32>
          %ge3A_616 = arith.cmpi sge, %add3A_609, %ge3A_615 : vector<16xi32>
          %lt3A_617 = vector.broadcast %squeeze3A_470 : i32 to vector<16xi32>
          %lt3A_618 = arith.cmpi slt, %add3A_609, %lt3A_617 : vector<16xi32>
          %and3A_619 = arith.andi %ge3A_616, %lt3A_618 : vector<16xi1>
          %mul3A_620 = arith.constant 16 : i32
          %mul3A_621 = arith.muli %while3A_605, %mul3A_620 : i32
          %sub3A_622 = arith.subi %mul3A_621, %mul3A_64 : i32
          %get3A_623 = arith.index_cast %sub3A_622 : i32 to index
          %get3A_624 = tpu.vector_load %arg7[%get3A_623] {strides = array<i32>} : memref<1024xf32, #tpu.memory_space<vmem>>, vector<16xf32>,
          %exp3A = math.exp %get3A_614 : vector<16xf32>
          %mul3A_625 = arith.mulf %exp3A, %div3A_561 : vector<16xf32>
          %select_n3A_626 = arith.select %and3A_619, %mul3A_625, %get3A_624 : vector<16xi1>, vector<16xf32>
          %mul3A_627 = arith.constant 16 : i32
          %mul3A_628 = arith.muli %while3A_605, %mul3A_627 : i32
          %sub3A_629 = arith.subi %mul3A_628, %mul3A_64 : i32
          %swap3A_630 = arith.index_cast %sub3A_629 : i32 to index
          %swap3A_631 = tpu.vector_load %arg7[%swap3A_630] {strides = array<i32>} : memref<1024xf32, #tpu.memory_space<vmem>>, vector<16xf32>,
          tpu.vector_store %arg7[%swap3A_630], %select_n3A_626 {strides = array<i32>} : memref<1024xf32, #tpu.memory_space<vmem>>, vector<16xf32>,
        }
        %while3A_587 = arith.constant 0 : i32
        %while3A_588 = arith.subi %max3A_576, %shift_right_arithmetic3A_573 : i32
        %while3A_589 = arith.addi %shift_right_arithmetic3A_573, %while3A_588 : i32
        %while3A_590 = arith.constant 1 : i32
        %while3A_591 = arith.divsi %while3A_588, %while3A_590 : i32
        %while3A_592 = arith.muli %while3A_591, %while3A_590 : i32
        %while3A_593 = arith.addi %shift_right_arithmetic3A_573, %while3A_592 : i32
        %while3A_594 = arith.constant 1 : i32
        scf.for %while3A_605 = %shift_right_arithmetic3A_573 to %while3A_593 step %while3A_594  : i32 {
          %mul3A_606 = arith.constant 16 : i32
          %mul3A_607 = arith.muli %while3A_605, %mul3A_606 : i32
          %sub3A_608 = arith.subi %mul3A_607, %multiple_of3A : i32
          %get3A_609 = arith.index_cast %sub3A_608 : i32 to index
          %get3A_610 = tpu.vector_load %arg6[%get3A_609] {strides = array<i32>} : memref<5120xf32, #tpu.memory_space<vmem>>, vector<16xf32>,
          %exp3A = math.exp %get3A_610 : vector<16xf32>
          %mul3A_611 = arith.mulf %exp3A, %div3A_561 : vector<16xf32>
          %mul3A_612 = arith.constant 16 : i32
          %mul3A_613 = arith.muli %while3A_605, %mul3A_612 : i32
          %sub3A_614 = arith.subi %mul3A_613, %mul3A_64 : i32
          %swap3A_615 = arith.index_cast %sub3A_614 : i32 to index
          %swap3A_616 = tpu.vector_load %arg7[%swap3A_615] {strides = array<i32>} : memref<1024xf32, #tpu.memory_space<vmem>>, vector<16xf32>,
          tpu.vector_store %arg7[%swap3A_615], %mul3A_611 {strides = array<i32>} : memref<1024xf32, #tpu.memory_space<vmem>>, vector<16xf32>,
        }
        %while3A_595 = arith.constant 1 : i32
        scf.for %while3A_605 = %while3A_593 to %while3A_589 step %while3A_595  : i32 {
          %mul3A_606 = arith.constant 16 : i32
          %mul3A_607 = arith.muli %while3A_605, %mul3A_606 : i32
          %sub3A_608 = arith.subi %mul3A_607, %multiple_of3A : i32
          %get3A_609 = arith.index_cast %sub3A_608 : i32 to index
          %get3A_610 = tpu.vector_load %arg6[%get3A_609] {strides = array<i32>} : memref<5120xf32, #tpu.memory_space<vmem>>, vector<16xf32>,
          %exp3A = math.exp %get3A_610 : vector<16xf32>
          %mul3A_611 = arith.mulf %exp3A, %div3A_561 : vector<16xf32>
          %mul3A_612 = arith.constant 16 : i32
          %mul3A_613 = arith.muli %while3A_605, %mul3A_612 : i32
          %sub3A_614 = arith.subi %mul3A_613, %mul3A_64 : i32
          %swap3A_615 = arith.index_cast %sub3A_614 : i32 to index
          %swap3A_616 = tpu.vector_load %arg7[%swap3A_615] {strides = array<i32>} : memref<1024xf32, #tpu.memory_space<vmem>>, vector<16xf32>,
          tpu.vector_store %arg7[%swap3A_615], %mul3A_611 {strides = array<i32>} : memref<1024xf32, #tpu.memory_space<vmem>>, vector<16xf32>,
        }
        %while3A_596 = arith.constant 0 : i32
        %while3A_597 = arith.subi %shift_right_arithmetic3A_569, %max3A_576 : i32
        %while3A_598 = arith.addi %max3A_576, %while3A_597 : i32
        %while3A_599 = arith.constant 1 : i32
        %while3A_600 = arith.divsi %while3A_597, %while3A_599 : i32
        %while3A_601 = arith.muli %while3A_600, %while3A_599 : i32
        %while3A_602 = arith.addi %max3A_576, %while3A_601 : i32
        %while3A_603 = arith.constant 1 : i32
        scf.for %while3A_605 = %max3A_576 to %while3A_602 step %while3A_603  : i32 {
          %mul3A_606 = arith.constant 16 : i32
          %mul3A_607 = arith.muli %while3A_605, %mul3A_606 : i32
          %add3A_608 = vector.broadcast %mul3A_607 : i32 to vector<16xi32>
          %add3A_609 = arith.addi %add3A_608, %iota3A : vector<16xi32>
          %mul3A_610 = arith.constant 16 : i32
          %mul3A_611 = arith.muli %while3A_605, %mul3A_610 : i32
          %sub3A_612 = arith.subi %mul3A_611, %multiple_of3A : i32
          %get3A_613 = arith.index_cast %sub3A_612 : i32 to index
          %get3A_614 = tpu.vector_load %arg6[%get3A_613] {strides = array<i32>} : memref<5120xf32, #tpu.memory_space<vmem>>, vector<16xf32>,
          %ge3A_615 = vector.broadcast %squeeze3A : i32 to vector<16xi32>
          %ge3A_616 = arith.cmpi sge, %add3A_609, %ge3A_615 : vector<16xi32>
          %lt3A_617 = vector.broadcast %squeeze3A_470 : i32 to vector<16xi32>
          %lt3A_618 = arith.cmpi slt, %add3A_609, %lt3A_617 : vector<16xi32>
          %and3A_619 = arith.andi %ge3A_616, %lt3A_618 : vector<16xi1>
          %mul3A_620 = arith.constant 16 : i32
          %mul3A_621 = arith.muli %while3A_605, %mul3A_620 : i32
          %sub3A_622 = arith.subi %mul3A_621, %mul3A_64 : i32
          %get3A_623 = arith.index_cast %sub3A_622 : i32 to index
          %get3A_624 = tpu.vector_load %arg7[%get3A_623] {strides = array<i32>} : memref<1024xf32, #tpu.memory_space<vmem>>, vector<16xf32>,
          %exp3A = math.exp %get3A_614 : vector<16xf32>
          %mul3A_625 = arith.mulf %exp3A, %div3A_561 : vector<16xf32>
          %select_n3A_626 = arith.select %and3A_619, %mul3A_625, %get3A_624 : vector<16xi1>, vector<16xf32>
          %mul3A_627 = arith.constant 16 : i32
          %mul3A_628 = arith.muli %while3A_605, %mul3A_627 : i32
          %sub3A_629 = arith.subi %mul3A_628, %mul3A_64 : i32
          %swap3A_630 = arith.index_cast %sub3A_629 : i32 to index
          %swap3A_631 = tpu.vector_load %arg7[%swap3A_630] {strides = array<i32>} : memref<1024xf32, #tpu.memory_space<vmem>>, vector<16xf32>,
          tpu.vector_store %arg7[%swap3A_630], %select_n3A_626 {strides = array<i32>} : memref<1024xf32, #tpu.memory_space<vmem>>, vector<16xf32>,
        }
        %while3A_604 = arith.constant 1 : i32
        scf.for %while3A_605 = %while3A_602 to %while3A_598 step %while3A_604  : i32 {
          %mul3A_606 = arith.constant 16 : i32
          %mul3A_607 = arith.muli %while3A_605, %mul3A_606 : i32
          %add3A_608 = vector.broadcast %mul3A_607 : i32 to vector<16xi32>
          %add3A_609 = arith.addi %add3A_608, %iota3A : vector<16xi32>
          %mul3A_610 = arith.constant 16 : i32
          %mul3A_611 = arith.muli %while3A_605, %mul3A_610 : i32
          %sub3A_612 = arith.subi %mul3A_611, %multiple_of3A : i32
          %get3A_613 = arith.index_cast %sub3A_612 : i32 to index
          %get3A_614 = tpu.vector_load %arg6[%get3A_613] {strides = array<i32>} : memref<5120xf32, #tpu.memory_space<vmem>>, vector<16xf32>,
          %ge3A_615 = vector.broadcast %squeeze3A : i32 to vector<16xi32>
          %ge3A_616 = arith.cmpi sge, %add3A_609, %ge3A_615 : vector<16xi32>
          %lt3A_617 = vector.broadcast %squeeze3A_470 : i32 to vector<16xi32>
          %lt3A_618 = arith.cmpi slt, %add3A_609, %lt3A_617 : vector<16xi32>
          %and3A_619 = arith.andi %ge3A_616, %lt3A_618 : vector<16xi1>
          %mul3A_620 = arith.constant 16 : i32
          %mul3A_621 = arith.muli %while3A_605, %mul3A_620 : i32
          %sub3A_622 = arith.subi %mul3A_621, %mul3A_64 : i32
          %get3A_623 = arith.index_cast %sub3A_622 : i32 to index
          %get3A_624 = tpu.vector_load %arg7[%get3A_623] {strides = array<i32>} : memref<1024xf32, #tpu.memory_space<vmem>>, vector<16xf32>,
          %exp3A = math.exp %get3A_614 : vector<16xf32>
          %mul3A_625 = arith.mulf %exp3A, %div3A_561 : vector<16xf32>
          %select_n3A_626 = arith.select %and3A_619, %mul3A_625, %get3A_624 : vector<16xi1>, vector<16xf32>
          %mul3A_627 = arith.constant 16 : i32
          %mul3A_628 = arith.muli %while3A_605, %mul3A_627 : i32
          %sub3A_629 = arith.subi %mul3A_628, %mul3A_64 : i32
          %swap3A_630 = arith.index_cast %sub3A_629 : i32 to index
          %swap3A_631 = tpu.vector_load %arg7[%swap3A_630] {strides = array<i32>} : memref<1024xf32, #tpu.memory_space<vmem>>, vector<16xf32>,
          tpu.vector_store %arg7[%swap3A_630], %select_n3A_626 {strides = array<i32>} : memref<1024xf32, #tpu.memory_space<vmem>>, vector<16xf32>,
        }
      } else {
      }
    }
    %scan3A_461 = arith.constant 16 : i32
    "tpu.region"() ({
      %run_scoped3A = tpu.sem_alloc : memref<!tpu.dma_semaphore, #tpu.memory_space<semaphore_mem>>
      %dma_start3A = tpu.memref_slice %arg4[%mul3A_64] : memref<32768xf32, #tpu.memory_space<hbm>> -> memref<1024xf32, #tpu.memory_space<hbm>>
      %dma_start3A_462 = tpu.memref_slice %arg4[%mul3A_64] : memref<32768xf32, #tpu.memory_space<hbm>> -> memref<1024xf32, #tpu.memory_space<hbm>>
      tpu.enqueue_dma source(%arg7 : memref<1024xf32, #tpu.memory_space<vmem>>) target(%dma_start3A_462 : memref<1024xf32, #tpu.memory_space<hbm>>) target_semaphore(%run_scoped3A : memref<!tpu.dma_semaphore, #tpu.memory_space<semaphore_mem>>)
      %dma_wait3A = tpu.memref_slice %arg4[%mul3A_64] : memref<32768xf32, #tpu.memory_space<hbm>> -> memref<1024xf32, #tpu.memory_space<hbm>>
      %dma_wait3A_463 = tpu.memref_slice %arg4[%mul3A_64] : memref<32768xf32, #tpu.memory_space<hbm>> -> memref<1024xf32, #tpu.memory_space<hbm>>
      tpu.wait_dma2 semaphore(%run_scoped3A : memref<!tpu.dma_semaphore, #tpu.memory_space<semaphore_mem>>) src(%arg7 : memref<1024xf32, #tpu.memory_space<vmem>>) dst(%dma_wait3A_463 : memref<1024xf32, #tpu.memory_space<hbm>>)
      tpu.yield
    }) : () -> ()
    return
  }
}

</mosaic_0001>

<sc_bundles>
// kernel: kernel.3.cloned.1.call-start
scs
__scs_entry_jumppad:
0x0: {  	(pc) =	sbr.rel $0x88, $3  }
0x1: {  	(tag) =	ssettag $0x0;
	lr =	simm.s32 $0x1  }
0x2: {  	[smem:$0x3F9F] =	sst lr;
	_ =	strace $0xD0000000  }
0x3: {  	_ = 	snop  }
0x4: {  	_ = 	snop  }
0x5: {  	_ = 	snop  }
0x6: {  	_ = 	snop  }
0x7: {  	_ = 	snop  }
__scs_overlays_trampoline_lowered:
0x8: {  	[smem:$0x3FAE] =	sst s0  }
0x9: {  	[smem:$0x3FAF] =	sst s1  }
0xa: {  	[smem:$0x3FB0] =	sst s2  }
0xb: {  	[smem:$0x3FB1] =	sst s3  }
0xc: {  	[smem:$0x3FB2] =	sst s4  }
0xd: {  	[smem:$0x3FB3] =	sst s5  }
0xe: {  	[smem:$0x3FB4] =	sst s6  }
0xf: {  	[smem:$0x3FB5] =	sst s7  }
0x10: {  	[smem:$0x3FB6] =	sst s8  }
0x11: {  	[smem:$0x3FB7] =	sst s9;
	s0 =	simm.s32 @!p0 $0x0  }
0x12: {  	s1 =	sld [smem:$0x3F9D];
	s0 =	simm.s32 @p0 $0x1  }
0x13: {  	[smem:$0x3FB8] =	sst s0;
	s0 =	simm.s32 @!p1 $0x0  }
0x14: {  	s2 =	sld [smem:$0x3F9C];
	s0 =	simm.s32 @p1 $0x1  }
0x15: {  	[smem:$0x3FB9] =	sst s0;
	s0 =	simm.s32 @!p2 $0x0  }
0x16: {  	s3 =	sld [smem:$0x3FDB];
	s0 =	simm.s32 @p2 $0x1  }
0x17: {  	s4 =	simm.s32 $0x1BF5;
	[smem:$0x3FBB] =	sst s0  }
0x18: {  	s0 =	sld [smem:$0x3F9E];
	_ =	swait.ge [sflag:s4], $0x0  }
0x19: {  	s7 =	sld [smem:$0x3F9F]  }
0x1a: {  	s8 =	sadd.s32 $0xFFFFE003, lr  }
0x1b: {  	s9 =	sadd.s32 $0xFFFFFEF7, lr;
	s5 =	simm.s32 $0xFFFFFFFF;
	p2 =	slt.u32 s8, $0xFFFFF086  }
0x1c: {  	p1 =	slt.u32 s9, $0xF7A;
	s5 =	simm.s32 @!p2 $0x0  }
0x1d: {  	s5 =	simm.s32 @p1 $0x1;
	p0 =	seq.s32 s7, s2  }
0x1e: {  	s7 =	smul.u32 @!p0 $0xF7A, s2;
	p2 =	seq.s32 @!p0 s5, $0x0  }
0x1f: {  	s9 =	smul.u32 $0xF7A, s1;
	s8 =	simm.s32 @!p0 $0x1BF5;
	p2 =	por !p2, p0  }
0x20: {  	[sflag:s8] =	ssyncset.s32 @!p0 $0xFFFFF086;
	s6 =	sadd.s32 @!p0 s3, s7;
	s7 =	simm.s32 @!p0 $0x108  }
0x21: {  	s3 =	sadd.s32 s3, s9;
	s6 =	sadd.s32 @!p0 $0x88, s6;
	s7 =	simm.s32 @p2 $0x1082  }
0x22: {  	[simem:s7], [sflag:s8] =	dma.local @!p0 [hbm:s6], $0xF7A  }
0x23: {  	s9 =	sor.u32 $0xD0000000, s2;
	s6 =	simm.s32 $0x108;
	_ =	swait.ge @!p0 [sflag:s8], $0x0  }
0x24: {  	s3 =	sadd.s32 $0x88, s3;
	s6 =	simm.s32 @!p1 $0x1082;
	[sflag:s4] =	ssyncset.s32 $0xFFFFF086  }
0x25: {  	[simem:s6], [sflag:s4] =	dma.local [hbm:s3], $0xF7A  }
0x26: {  	[smem:$0x3F9F] =	sst s1;
	(tag) =	ssettag s2;
	_ =	strace s9  }
0x27: {  	s1 =	sld [smem:$0x3FAF]  }
0x28: {  	s2 =	sld [smem:$0x3FB0]  }
0x29: {  	s4 =	sld [smem:$0x3FB2]  }
0x2a: {  	p0 =	seq.s32 s5, $0x0;
	s5 =	sld [smem:$0x3FB3]  }
0x2b: {  	s6 =	sld [smem:$0x3FB4]  }
0x2c: {  	s7 =	sld [smem:$0x3FB5]  }
0x2d: {  	s3 =	simm.s32 $0x108;
	s8 =	sld [smem:$0x3FB6]  }
0x2e: {  	s3 =	simm.s32 @!p0 $0x1082;
	s9 =	sld [smem:$0x3FB7]  }
0x2f: {  	lr =	sadd.s32 s0, s3;
	s0 =	sld [smem:$0x3FAE]  }
0x30: {  	s3 =	sld [smem:$0x3FB1]  }
0x31: {  	[smem:$0x3FBA] =	sst s10  }
0x32: {  	s10 =	sld [smem:$0x3FB8];
	_ =	sdelay $0x3  }
0x33: {  	p0 =	seq.s32 s10, $0x1;
	s10 =	sld [smem:$0x3FBA];
	_ =	sdelay $0x3  }
0x34: {  	[smem:$0x3FBA] =	sst s10  }
0x35: {  	s10 =	sld [smem:$0x3FB9];
	_ =	sdelay $0x3  }
0x36: {  	p1 =	seq.s32 s10, $0x1;
	s10 =	sld [smem:$0x3FBA];
	_ =	sdelay $0x3  }
0x37: {  	[smem:$0x3FBA] =	sst s10  }
0x38: {  	s10 =	sld [smem:$0x3FBB]  }
0x39: {  	_ = 	snop;
	(pc) =	sbr.ind lr, $3  }
0x3a: {  	_ = 	snop  }
0x3b: {  	_ = 	snop  }
0x3c: {  	p2 =	seq.s32 s10, $0x1;
	s10 =	sld [smem:$0x3FBA]  }
0x3d: {  	_ =	shalt  }
0x3e: {  	_ =	shalt  }
0x3f: {  	_ =	shalt  }
0x40: {  	_ =	shalt  }
0x41: {  	_ =	shalt  }
0x42: {  	_ =	shalt  }
0x43: {  	_ =	shalt  }
0x44: {  	_ =	shalt  }
0x45: {  	_ =	shalt  }
0x46: {  	_ =	shalt  }
0x47: {  	_ =	shalt  }
0x48: {  	_ =	shalt  }
0x49: {  	_ =	shalt  }
0x4a: {  	_ =	shalt  }
0x4b: {  	_ =	shalt  }
0x4c: {  	_ =	shalt  }
0x4d: {  	_ =	shalt  }
0x4e: {  	_ =	shalt  }
0x4f: {  	_ =	shalt  }
0x50: {  	_ =	shalt  }
0x51: {  	_ =	shalt  }
0x52: {  	_ =	shalt  }
0x53: {  	_ =	shalt  }
0x54: {  	_ =	shalt  }
0x55: {  	_ =	shalt  }
0x56: {  	_ =	shalt  }
0x57: {  	_ =	shalt  }
0x58: {  	_ =	shalt  }
0x59: {  	_ =	shalt  }
0x5a: {  	_ =	shalt  }
0x5b: {  	_ =	shalt  }
0x5c: {  	_ =	shalt  }
0x5d: {  	_ =	shalt  }
0x5e: {  	_ =	shalt  }
0x5f: {  	_ =	shalt  }
0x60: {  	_ =	shalt  }
0x61: {  	_ =	shalt  }
0x62: {  	_ =	shalt  }
0x63: {  	_ =	shalt  }
0x64: {  	_ =	shalt  }
0x65: {  	_ =	shalt  }
0x66: {  	_ =	shalt  }
0x67: {  	_ =	shalt  }
0x68: {  	_ =	shalt  }
0x69: {  	_ =	shalt  }
0x6a: {  	_ =	shalt  }
0x6b: {  	_ =	shalt  }
0x6c: {  	_ =	shalt  }
0x6d: {  	_ =	shalt  }
0x6e: {  	_ =	shalt  }
0x6f: {  	_ =	shalt  }
0x70: {  	_ =	shalt  }
0x71: {  	_ =	shalt  }
0x72: {  	_ =	shalt  }
0x73: {  	_ =	shalt  }
0x74: {  	_ =	shalt  }
0x75: {  	_ =	shalt  }
0x76: {  	_ =	shalt  }
0x77: {  	_ =	shalt  }
0x78: {  	_ =	shalt  }
0x79: {  	_ =	shalt  }
0x7a: {  	_ =	shalt  }
0x7b: {  	_ =	shalt  }
0x7c: {  	_ =	shalt  }
0x7d: {  	_ =	shalt  }
0x7e: {  	_ =	shalt  }
0x7f: {  	_ =	shalt  }
0x80: {  	_ =	shalt  }
0x81: {  	_ =	shalt  }
0x82: {  	_ =	shalt  }
0x83: {  	_ =	shalt  }
0x84: {  	_ =	shalt  }
0x85: {  	_ =	shalt  }
0x86: {  	_ =	shalt  }
0x87: {  	_ =	shalt  }
.Lfunc_end0:
.L_simem_size_0:
called_computation_lowered:
.L_overlay_start_0:
0x88: {  	s2 =	sld [smem:$0x3FD9]  }
0x89: {  	s3 =	sld [smem:$0x3FFE];
	_ =	sdelay $0x1  }
0x8a: {  	s1 =	srdreg.scid  }
0x8b: {  	s0 =	sand.u32 $0x1, s1  }
0x8c: {  	s18 =	sshll.u32 s0, $0xA;
	s2 =	sadd.s32 s3, s2  }
0x8d: {  	s2 =	sadd.s32 s2, s18  }
0x8e: {  	[smem:$0x3FC6] =	sst s2  }
0x8f: {  	_ = 	snop  }
0x90: {  	s2 =	sld [smem:$0x3FC9]  }
0x91: {  	s19 =	sld [smem:$0x3FC8]  }
0x92: {  	s4 =	sld [smem:$0x3FD0];
	(tm) =	ssettm $0x1  }
0x93: {  	s5 =	sld [smem:$0x3FFB];
	_ =	sdelay $0x3  }
0x94: {  	_ =	strace s5  }
0x95: {  	s5 =	sld [smem:$0x3FFC];
	_ =	sdelay $0x3  }
0x96: {  	_ =	strace s5  }
0x97: {  	s5 =	sld [smem:$0x3FFD];
	_ =	sdelay $0x3  }
0x98: {  	_ =	strace s5  }
0x99: {  	_ =	strace $0x8FFFFFFF  }
0x9a: {  	s20 =	sld [smem:$0x3FDB];
	_ =	sdelay $0x1  }
0x9b: {  	s6 =	simm.s32 $_scs_section_size  }
0x9c: {  	s7 =	simm.s32 $_size__tile_overlayer_lowered;
	s8 =	simm.s32 $_tile_overlayer_lowered  }
0x9d: {  	s23 =	simm.s32 $0x1BFF;
	s22 =	sshll.u32 s8, $0x1;
	s5 =	sadd.s32 s6, s20  }
0x9e: {  	s9 =	simm.s32 $0x0;
	s21 =	sshll.u32 s7, $0x1;
	s7 =	sadd.s32 s22, s5  }
0x9f: {  	[timem:s9], [sflag:s23] =	dma.local [hbm:s7], s21  }
0xa0: {  	_ =	swait.ge [sflag:s23], s21  }
0xa1: {  	s6 =	ssub.s32 $0x0, s21;
	[sflag:s23] =	ssyncset.done $0x0  }
0xa2: {  	[sflag:s23] =	ssyncadd.s32 s6;
	_ =	sdelay $0x1  }
0xa3: {  	s24 =	simm.s32 $0x1B8B  }
0xa4: {  	_ =	swait.ge [sflag:s24], $0x1  }
0xa5: {  	[sflag:s24] =	ssyncset.done $0x0  }
0xa6: {  	s25 =	simm.s32 $0x1B8E;
	[sflag:s24] =	ssyncadd.s32 $0xFFFFFFFF  }
0xa7: {  	s26 =	simm.s32 $execute0_lowered;
	[smem:$0x3FD2] =	sst s25  }
0xa8: {  	s6 =	sshll.u32 s26, $0x1;
	_ =	strace $0x80000046;
	[dreg:$0x1] =	wrdreg $0xFFFFFFFF  }
0xa9: {  	s28 =	simm.s32 $_size_execute0_lowered;
	s5 =	sadd.s32 s5, s6;
	[dreg:$0x0] =	wrdreg $0x0  }
0xaa: {  	s6 =	sshll.u32 s28, $0x1;
	[dreg:$0x2] =	wrdreg s5  }
0xab: {  	[dreg:$0x3] =	wrdreg s6  }
0xac: {  	[dreg:$0x4] =	wrdreg $0xC0  }
0xad: {  	_ =	task [dreg:s9], $0x5FFFF  }
0xae: {  	[dreg:$0x1] =	wrdreg $0xFFFFFFFF  }
0xaf: {  	[dreg:$0x0] =	wrdreg $0x60  }
0xb0: {  	[dreg:$0x2] =	wrdreg s2  }
0xb1: {  	[dreg:$0x3] =	wrdreg s19  }
0xb2: {  	[dreg:$0x4] =	wrdreg s4  }
0xb3: {  	[dreg:$0x5] =	wrdreg $0x9  }
0xb4: {  	_ =	task.clear_ibuf [dreg:s9], $0x6FFFF;
	_ =	strace $0x90000046  }
0xb5: {  	s29 =	simm.s32 $0x9;
	_ =	strace $0x80000048  }
0xb6: {  	_ =	swait.ge [sflag:s29], $0x1  }
0xb7: {  	[sflag:s29] =	ssyncadd.s32 $0xFFFFFFFF  }
0xb8: {  	_ =	strace $0x90000048  }
0xb9: {  	_ =	sfence  }
0xba: {  	s30 =	sld [smem:$0x0];
	_ =	sdelay $0x2  }
0xbb: {  	s31 =	sshll.u32 s1, $0xD;
	s1 =	sshrl.u32 s1, $0x2  }
0xbc: {  	s3 =	sand.u32 $0x4000, s31;
	s1 =	sadd.s32 s1, s30  }
0xbd: {  	s0 =	sor.u32 s3, s0;
	s1 =	sshll.u32 s1, $0x11  }
0xbe: {  	s0 =	sor.u32 s1, s0  }
0xbf: {  	s0 =	sadd.s32 $0x8F2B, s0  }
0xc0: {  	[sflag:s0] =	ssyncadd.remote.s32 $0x1  }
0xc1: {  	_ =	sfence.sel $0xFFFF  }
0xc2: {  	[dreg:$0x0] =	wrdreg $0xFFFFFFFF;
	(pc) =	sbr.abs _section_cstart, $3  }
0xc3: {  	[dreg:$0x1] =	wrdreg $0xFFFFFFFF  }
0xc4: {  	_ =	task.clear_ibuf [dreg:s9], $0x2FFFF;
	_ =	strace $0x9FFFFFFF  }
0xc5: {  	(tm) =	ssettm $0x7FFFFFFF  }
tec
execute0_lowered:
.L_overlay_start_1:
0x0: {  	(tag) =	ssettag $0x1  }
0x1: {  	v0 =	vimm.s32 $0xEDCBA987;
	v1 =	vimm.s32 $0x65432100  }
0x2: {  	v2 =	vimm.s32 $0xDCBA9876;
	v3 =	vimm.s32 $0x54321000;
	s0 =	srdreg.scid;
	v4 =	vimm.s32 $0xE40000  }
0x3: {  	s3 =	stileid.u32;
	v5 =	vimm.s32 $0xBA987654;
	v6 =	vimm.s32 $0x32100000;
	vm0 =	vcmask $0x3F30;
	s2 =	sand.u32 $0x1, s0  }
0x4: {  	v7 =	vimm.s32 $0x54761032;
	v8 =	vimm.s32 $0xBA98FEDC;
	s3 =	sshll.u32 s3, $0xB;
	s4 =	sshll.u32 s2, $0xA  }
0x5: {  	v9 =	vimm.s32 $0x32107654;
	v10 =	vimm.s32 $0xFEDCBA98;
	v0 =	vunpack.c.l.s4.s8 v0;
	s3 =	sor.u32 s4, s3  }
0x6: {  	s1 =	rddreg [dreg:$0x0];
	v1 =	vunpack.c.l.s4.s8 v1;
	v2 =	vunpack.c.l.s4.s8 v2;
	v4 =	vunpack.c.l.s2.s4 v4;
	s5 =	smax.u32 s3, $0x800  }
0x7: {  	s14 =	rddreg [dreg:$0x2];
	s28 =	simm.s32 $0x1;
	v3 =	vunpack.c.l.s4.s8 v3;
	v5 =	vunpack.c.l.s4.s8 v5;
	v6 =	vunpack.c.l.s4.s8 v6;
	s6 =	smin.u32 s5, $0x7400  }
0x8: {  	s29 =	simm.s32 $0x1A00;
	s31 =	simm.s32 $0x1880;
	v0 =	vunpack.c.0.s8.s32 v0;
	v2 =	vunpack.c.0.s8.s32 v2;
	v4 =	vunpack.c.l.s4.s8 v4;
	s7 =	sadd.s32 $0xFFFFF800, s6  }
0x9: {  	s30 =	simm.s32 $0x0;
	v8 =	vunpack.c.l.s4.s8 v8;
	v1 =	vunpack.c.0.s8.s32 v1;
	v3 =	vunpack.c.0.s8.s32 v3;
	s4 =	simm.s32 $0x0;
	s8 =	sshrl.u32 s7, $0x3  }
0xa: {  	[smem:$0x7FF] =	sst s4;
	v0 =	vand.u32 $0xF, v0;
	v2 =	vand.u32 $0xF, v2;
	v4 =	vunpack.c.0.s8.s32 v4;
	s7 =	ssub.s32 s3, s7;
	s1 =	sadd.s32 s1, s8  }
0xb: {  	_ =	strace $0x80000047;
	v0 =	vcombine.low v1, v0;
	v1 =	vcombine.low v3, v2;
	v2 =	vunpack.c.0.s8.s32 v5;
	s16 =	sor.u32 $0x10, s7;
	[dreg:$0x4] =	wrdreg s1  }
0xc: {  	s2 =	ssub.s32 $0x2, s2;
	v3 =	vunpack.c.0.s8.s32 v6;
	v5 =	vimm.s32 $0x7060504;
	v6 =	vimm.s32 $0xEFCDAB89;
	s17 =	sor.u32 $0x20, s7;
	[dreg:$0x5] =	wrdreg s16  }
0xd: {  	s15 =	sshrl.u32 s2, $0x1;
	v5 =	vunpack.c.0.s8.s32 v5;
	v6 =	vunpack.c.l.s4.s8 v6;
	v2 =	vand.u32 $0xF, v2;
	s18 =	sor.u32 $0x30, s7;
	[dreg:$0x6] =	wrdreg s17  }
0xe: {  	v9 =	vunpack.c.l.s4.s8 v9;
	s2 =	ssub.s32 s2, s15;
	v4 =	vand.u32 $0x3, v4;
	s19 =	sor.u32 $0x40, s7;
	v2 =	vcombine.low v3, v2;
	[dreg:$0x7] =	wrdreg s18  }
0xf: {  	s24 =	sshrl.u32 s3, $0x3;
	s20 =	sor.u32 $0x50, s7;
	v3 =	vsel vm0, v5, v4;
	v5 =	vunpack.c.0.s8.s32 v6;
	v6 =	vimm.s32 $0xDCFE98BA;
	[dreg:$0x8] =	wrdreg s19  }
0x10: {  	v7 =	vunpack.c.l.s4.s8 v7;
	s5 =	sadd.s32 $0x400, s3;
	s21 =	sor.u32 $0x60, s7;
	v4 =	vimm.s32 $0x67452301;
	[dreg:$0x9] =	wrdreg s20;
	v6 =	vunpack.c.l.s4.s8 v6  }
0x11: {  	v8 =	vunpack.c.0.s8.s32 v8;
	v9 =	vunpack.c.0.s8.s32 v9;
	s6 =	sshll.u32 s6, $0x2;
	s22 =	sor.u32 $0x70, s7;
	[dreg:$0xa] =	wrdreg s21;
	v4 =	vunpack.c.l.s4.s8 v4  }
0x12: {  	v10 =	vunpack.c.l.s4.s8 v10;
	v7 =	vunpack.c.0.s8.s32 v7;
	s25 =	ssub.s32 $0x2000, s6;
	s23 =	sor.u32 $0x80, s7;
	[dreg:$0xb] =	wrdreg s22;
	v6 =	vunpack.c.0.s8.s32 v6  }
0x13: {  	v11 =	vimm.s32 $0x76543210;
	v8 =	vcombine.low v9, v8;
	s26 =	ssub.s32 $0x20C0, s6;
	s0 =	sshra.s32 s25, $0x2;
	[dreg:$0xc] =	wrdreg s23;
	v4 =	vunpack.c.0.s8.s32 v4  }
.Ltmp0:
0x14: {  	v9 =	vunpack.c.0.s8.s32 v10;
	s16 =	sor.u32 $0x100, s7;
	s17 =	sor.u32 $0x180, s7;
	v6 =	vcombine.low v7, v6;
	v7 =	vunpack.c.l.s4.s8 v11;
	(pc) =	sbr.rel .LBB2_1-.Ltmp0, $4  }
0x15: {  	vm1 =	vmmov $0xf;
	s18 =	sor.u32 $0x200, s7;
	s19 =	sor.u32 $0x280, s7;
	s20 =	sor.u32 $0x300, s7;
	v5 =	vcombine.low v4, v5  }
0x16: {  	vm2 =	vmmov $0xff;
	v9 =	vand.u32 $0xF, v9;
	s21 =	sadd.s32 s14, s24;
	s22 =	sor.u32 $0x380, s7;
	s1 =	sshra.s32 s26, $0x2;
	v10 =	vunpack.c.0.s8.s32 v7  }
0x17: {  	s23 =	smax.u32 s2, $0x1;
	s24 =	sadd.s32 $0x80, s0;
	vm0 =	vmmov $0x3;
	s26 =	ssub.s32 $0x0, s3;
	v4 =	vlaneseq.u32;
	v5 =	vand.u32 $0xF, v5  }
0x18: {  	s2 =	simm.s32 $0x1900;
	s0 =	simm.s32 $0x1980;
	s25 =	sadd.s32 $0x80, s1;
	v6 =	vand.u32 $0xF, v6;
	v7 =	vand.u32 $0xF, v8;
	v8 =	vcombine.low v9, v10  }
.LBB2_67:
0x19: {  	s30 =	sadd.s32 $0x1, s30  }
0x1a: {  	p0 =	sne.s32 s30, s23  }
.Ltmp1:
0x1b: {  	s1 =	simm.s32 $0x1480;
	(pc) =	sbr.rel @!p0 .LBB2_68-.Ltmp1, $4  }
0x1c: {  	[hbm4b:s21+s4] =	stream.linear.scatter [tilespmem:s1], [sflag:$0x1], $0x400, $0x38;
	[tilespmem:$0x1A80] =	vst v63  }
0x1d: {  	_ =	swait.ge [sflag:s28], $0x400  }
0x1e: {  	[sflag:s28] =	ssyncset.done $0x0  }
0x1f: {  	[sflag:s28] =	ssyncadd.s32 $0xFFFFFC00  }
.LBB2_1:
0x20: {  	s1 =	rddreg [dreg:$0x1]  }
0x21: {  	[tilespmem:s4], [sflag:$0x1] =	stream.linear.gather [hbm4b:s1+s4], $0x80, $0x38;
	[tilespmem:$0x1A80] =	vst v63  }
0x22: {  	_ =	swait.ge [sflag:s28], $0x80  }
0x23: {  	[sflag:s28] =	ssyncset.done $0x0  }
0x24: {  	[sflag:s28] =	ssyncadd.s32 $0xFFFFFF80  }
0x25: {  	v9 =	vld [tilespmem:$0x0];
	_ =	sdelay $0x4  }
0x26: {  	[tilespmem:$0x1A00] =	vst v9  }
0x27: {  	v10 =	vld.idx.msk [tilespmem:v0+s29+$0x0], $0xffff;
	_ =	sdelay $0x3  }
0x28: {  	vm3 =	veq.s32 v4, $0x0  }
0x29: {  	v10 =	vsel vm3, $0x0, v10  }
0x2a: {  	v10 =	vadd.s32 v9, v10  }
0x2b: {  	[tilespmem:$0x1A00] =	vst v10  }
0x2c: {  	v11 =	vld.idx.msk [tilespmem:v1+s29+$0x0], $0xffff;
	_ =	sdelay $0x4  }
0x2d: {  	v11 =	vsel vm0, $0x0, v11  }
0x2e: {  	v10 =	vadd.s32 v10, v11  }
0x2f: {  	[tilespmem:$0x1A00] =	vst v10  }
0x30: {  	v11 =	vld.idx.msk [tilespmem:v2+s29+$0x0], $0xffff;
	_ =	sdelay $0x4  }
0x31: {  	v11 =	vsel vm1, $0x0, v11  }
0x32: {  	v10 =	vadd.s32 v10, v11  }
0x33: {  	[tilespmem:$0x1A00] =	vst v10  }
0x34: {  	v11 =	vld.idx.msk [tilespmem:v3+s29+$0x0], $0xffff;
	_ =	sdelay $0x4  }
0x35: {  	v11 =	vsel vm2, $0x0, v11  }
0x36: {  	v10 =	vadd.s32 v10, v11  }
0x37: {  	v9 =	vsub.s32 v10, v9;
	[tilespmem:$0x1900] =	vst v10  }
0x38: {  	s6 =	simm.s32 $0x80;
	s15 =	rddreg [dreg:$0x4];
	[tilespmem:$0x1880] =	vst v9  }
0x39: {  	[tilespmem:s6], [sflag:$0x1] =	stream.linear.gather [hbm4b:s15+s4], $0x1400, $0x38;
	[tilespmem:$0x1A80] =	vst v63  }
0x3a: {  	_ =	swait.ge [sflag:s28], $0x1400  }
0x3b: {  	[sflag:s28] =	ssyncset.done $0x0  }
0x3c: {  	[sflag:s28] =	ssyncadd.s32 $0xFFFFEC00  }
0x3d: {  	v9 =	vld [tilespmem:s7+$0x80];
	_ =	sdelay $0x4  }
0x3e: {  	s8 =	rddreg [dreg:$0x5];
	[tilespmem:$0x1480] =	vst v9  }
0x3f: {  	v9 =	vld [tilespmem:s8+$0x80];
	_ =	sdelay $0x4  }
0x40: {  	s9 =	rddreg [dreg:$0x6];
	[tilespmem:$0x1490] =	vst v9  }
0x41: {  	v9 =	vld [tilespmem:s9+$0x80];
	_ =	sdelay $0x4  }
0x42: {  	s10 =	rddreg [dreg:$0x7];
	[tilespmem:$0x14A0] =	vst v9  }
0x43: {  	v9 =	vld [tilespmem:s10+$0x80];
	_ =	sdelay $0x4  }
0x44: {  	s11 =	rddreg [dreg:$0x8];
	[tilespmem:$0x14B0] =	vst v9  }
0x45: {  	v9 =	vld [tilespmem:s11+$0x80];
	_ =	sdelay $0x4  }
0x46: {  	s12 =	rddreg [dreg:$0x9];
	[tilespmem:$0x14C0] =	vst v9  }
0x47: {  	v9 =	vld [tilespmem:s12+$0x80];
	_ =	sdelay $0x4  }
0x48: {  	s13 =	rddreg [dreg:$0xa];
	[tilespmem:$0x14D0] =	vst v9  }
0x49: {  	v9 =	vld [tilespmem:s13+$0x80];
	_ =	sdelay $0x4  }
0x4a: {  	s14 =	rddreg [dreg:$0xb];
	[tilespmem:$0x14E0] =	vst v9  }
0x4b: {  	v9 =	vld [tilespmem:s14+$0x80];
	_ =	sdelay $0x4  }
0x4c: {  	s15 =	rddreg [dreg:$0xc];
	[tilespmem:$0x14F0] =	vst v9  }
0x4d: {  	v9 =	vld [tilespmem:s15+$0x80];
	_ =	sdelay $0x4  }
0x4e: {  	[tilespmem:$0x1500] =	vst v9  }
0x4f: {  	v9 =	vld [tilespmem:s7+$0x110];
	_ =	sdelay $0x4  }
0x50: {  	[tilespmem:$0x1510] =	vst v9  }
0x51: {  	v9 =	vld [tilespmem:s7+$0x120];
	_ =	sdelay $0x4  }
0x52: {  	[tilespmem:$0x1520] =	vst v9  }
0x53: {  	v9 =	vld [tilespmem:s7+$0x130];
	_ =	sdelay $0x4  }
0x54: {  	[tilespmem:$0x1530] =	vst v9  }
0x55: {  	v9 =	vld [tilespmem:s7+$0x140];
	_ =	sdelay $0x4  }
0x56: {  	[tilespmem:$0x1540] =	vst v9  }
0x57: {  	v9 =	vld [tilespmem:s7+$0x150];
	_ =	sdelay $0x4  }
0x58: {  	[tilespmem:$0x1550] =	vst v9  }
0x59: {  	v9 =	vld [tilespmem:s7+$0x160];
	_ =	sdelay $0x4  }
0x5a: {  	[tilespmem:$0x1560] =	vst v9  }
0x5b: {  	v9 =	vld [tilespmem:s7+$0x170];
	_ =	sdelay $0x4  }
0x5c: {  	[tilespmem:$0x1570] =	vst v9  }
0x5d: {  	v9 =	vld [tilespmem:s16+$0x80];
	_ =	sdelay $0x4  }
0x5e: {  	[tilespmem:$0x1580] =	vst v9  }
0x5f: {  	v9 =	vld [tilespmem:s7+$0x190];
	_ =	sdelay $0x4  }
0x60: {  	[tilespmem:$0x1590] =	vst v9  }
0x61: {  	v9 =	vld [tilespmem:s7+$0x1A0];
	_ =	sdelay $0x4  }
0x62: {  	[tilespmem:$0x15A0] =	vst v9  }
0x63: {  	v9 =	vld [tilespmem:s7+$0x1B0];
	_ =	sdelay $0x4  }
0x64: {  	[tilespmem:$0x15B0] =	vst v9  }
0x65: {  	v9 =	vld [tilespmem:s7+$0x1C0];
	_ =	sdelay $0x4  }
0x66: {  	[tilespmem:$0x15C0] =	vst v9  }
0x67: {  	v9 =	vld [tilespmem:s7+$0x1D0];
	_ =	sdelay $0x4  }
0x68: {  	[tilespmem:$0x15D0] =	vst v9  }
0x69: {  	v9 =	vld [tilespmem:s7+$0x1E0];
	_ =	sdelay $0x4  }
0x6a: {  	[tilespmem:$0x15E0] =	vst v9  }
0x6b: {  	v9 =	vld [tilespmem:s7+$0x1F0];
	_ =	sdelay $0x4  }
0x6c: {  	[tilespmem:$0x15F0] =	vst v9  }
0x6d: {  	v9 =	vld [tilespmem:s17+$0x80];
	_ =	sdelay $0x4  }
0x6e: {  	[tilespmem:$0x1600] =	vst v9  }
0x6f: {  	v9 =	vld [tilespmem:s7+$0x210];
	_ =	sdelay $0x4  }
0x70: {  	[tilespmem:$0x1610] =	vst v9  }
0x71: {  	v9 =	vld [tilespmem:s7+$0x220];
	_ =	sdelay $0x4  }
0x72: {  	[tilespmem:$0x1620] =	vst v9  }
0x73: {  	v9 =	vld [tilespmem:s7+$0x230];
	_ =	sdelay $0x4  }
0x74: {  	[tilespmem:$0x1630] =	vst v9  }
0x75: {  	v9 =	vld [tilespmem:s7+$0x240];
	_ =	sdelay $0x4  }
0x76: {  	[tilespmem:$0x1640] =	vst v9  }
0x77: {  	v9 =	vld [tilespmem:s7+$0x250];
	_ =	sdelay $0x4  }
0x78: {  	[tilespmem:$0x1650] =	vst v9  }
0x79: {  	v9 =	vld [tilespmem:s7+$0x260];
	_ =	sdelay $0x4  }
0x7a: {  	[tilespmem:$0x1660] =	vst v9  }
0x7b: {  	v9 =	vld [tilespmem:s7+$0x270];
	_ =	sdelay $0x4  }
0x7c: {  	[tilespmem:$0x1670] =	vst v9  }
0x7d: {  	v9 =	vld [tilespmem:s18+$0x80];
	_ =	sdelay $0x4  }
0x7e: {  	[tilespmem:$0x1680] =	vst v9  }
0x7f: {  	v9 =	vld [tilespmem:s7+$0x290];
	_ =	sdelay $0x4  }
0x80: {  	[tilespmem:$0x1690] =	vst v9  }
0x81: {  	v9 =	vld [tilespmem:s7+$0x2A0];
	_ =	sdelay $0x4  }
0x82: {  	[tilespmem:$0x16A0] =	vst v9  }
0x83: {  	v9 =	vld [tilespmem:s7+$0x2B0];
	_ =	sdelay $0x4  }
0x84: {  	[tilespmem:$0x16B0] =	vst v9  }
0x85: {  	v9 =	vld [tilespmem:s7+$0x2C0];
	_ =	sdelay $0x4  }
0x86: {  	[tilespmem:$0x16C0] =	vst v9  }
0x87: {  	v9 =	vld [tilespmem:s7+$0x2D0];
	_ =	sdelay $0x4  }
0x88: {  	[tilespmem:$0x16D0] =	vst v9  }
0x89: {  	v9 =	vld [tilespmem:s7+$0x2E0];
	_ =	sdelay $0x4  }
0x8a: {  	[tilespmem:$0x16E0] =	vst v9  }
0x8b: {  	v9 =	vld [tilespmem:s7+$0x2F0];
	_ =	sdelay $0x4  }
0x8c: {  	[tilespmem:$0x16F0] =	vst v9  }
0x8d: {  	v9 =	vld [tilespmem:s19+$0x80];
	_ =	sdelay $0x4  }
0x8e: {  	[tilespmem:$0x1700] =	vst v9  }
0x8f: {  	v9 =	vld [tilespmem:s7+$0x310];
	_ =	sdelay $0x4  }
0x90: {  	[tilespmem:$0x1710] =	vst v9  }
0x91: {  	v9 =	vld [tilespmem:s7+$0x320];
	_ =	sdelay $0x4  }
0x92: {  	[tilespmem:$0x1720] =	vst v9  }
0x93: {  	v9 =	vld [tilespmem:s7+$0x330];
	_ =	sdelay $0x4  }
0x94: {  	[tilespmem:$0x1730] =	vst v9  }
0x95: {  	v9 =	vld [tilespmem:s7+$0x340];
	_ =	sdelay $0x4  }
0x96: {  	[tilespmem:$0x1740] =	vst v9  }
0x97: {  	v9 =	vld [tilespmem:s7+$0x350];
	_ =	sdelay $0x4  }
0x98: {  	[tilespmem:$0x1750] =	vst v9  }
0x99: {  	v9 =	vld [tilespmem:s7+$0x360];
	_ =	sdelay $0x4  }
0x9a: {  	[tilespmem:$0x1760] =	vst v9  }
0x9b: {  	v9 =	vld [tilespmem:s7+$0x370];
	_ =	sdelay $0x4  }
0x9c: {  	[tilespmem:$0x1770] =	vst v9  }
0x9d: {  	v9 =	vld [tilespmem:s20+$0x80];
	_ =	sdelay $0x4  }
0x9e: {  	[tilespmem:$0x1780] =	vst v9  }
0x9f: {  	v9 =	vld [tilespmem:s7+$0x390];
	_ =	sdelay $0x4  }
0xa0: {  	[tilespmem:$0x1790] =	vst v9  }
0xa1: {  	v9 =	vld [tilespmem:s7+$0x3A0];
	_ =	sdelay $0x4  }
0xa2: {  	[tilespmem:$0x17A0] =	vst v9  }
0xa3: {  	v9 =	vld [tilespmem:s7+$0x3B0];
	_ =	sdelay $0x4  }
0xa4: {  	[tilespmem:$0x17B0] =	vst v9  }
0xa5: {  	v9 =	vld [tilespmem:s7+$0x3C0];
	_ =	sdelay $0x4  }
0xa6: {  	[tilespmem:$0x17C0] =	vst v9  }
0xa7: {  	v9 =	vld [tilespmem:s7+$0x3D0];
	_ =	sdelay $0x4  }
0xa8: {  	[tilespmem:$0x17D0] =	vst v9  }
0xa9: {  	v9 =	vld [tilespmem:s7+$0x3E0];
	_ =	sdelay $0x4  }
0xaa: {  	[tilespmem:$0x17E0] =	vst v9  }
0xab: {  	v9 =	vld [tilespmem:s7+$0x3F0];
	_ =	sdelay $0x4  }
0xac: {  	[tilespmem:$0x17F0] =	vst v9  }
0xad: {  	v9 =	vld [tilespmem:s22+$0x80];
	_ =	sdelay $0x4  }
0xae: {  	[tilespmem:$0x1800] =	vst v9  }
0xaf: {  	v9 =	vld [tilespmem:s7+$0x410];
	_ =	sdelay $0x4  }
0xb0: {  	[tilespmem:$0x1810] =	vst v9  }
0xb1: {  	v9 =	vld [tilespmem:s7+$0x420];
	_ =	sdelay $0x4  }
0xb2: {  	[tilespmem:$0x1820] =	vst v9  }
0xb3: {  	v9 =	vld [tilespmem:s7+$0x430];
	_ =	sdelay $0x4  }
0xb4: {  	[tilespmem:$0x1830] =	vst v9  }
0xb5: {  	v9 =	vld [tilespmem:s7+$0x440];
	_ =	sdelay $0x4  }
0xb6: {  	[tilespmem:$0x1840] =	vst v9  }
0xb7: {  	v9 =	vld [tilespmem:s7+$0x450];
	_ =	sdelay $0x4  }
0xb8: {  	[tilespmem:$0x1850] =	vst v9  }
0xb9: {  	v9 =	vld [tilespmem:s7+$0x460];
	_ =	sdelay $0x4  }
0xba: {  	[tilespmem:$0x1860] =	vst v9  }
0xbb: {  	v9 =	vld [tilespmem:s7+$0x470]  }
.Ltmp2:
0xbc: {  	_ = 	snop;
	(pc) =	sbr.rel .LBB2_2-.Ltmp2, $2  }
0xbd: {  	_ =	sdelay $0x2  }
0xbe: {  	s1 =	simm.s32 $0x0;
	[tilespmem:$0x1870] =	vst v9  }
.LBB2_57:
0xbf: {  	s8 =	smov.u32 s6  }
.LBB2_65:
0xc0: {  	v12 =	vmul.f32 $1.442695020e+00, v12;
	_ =	sdelay $0x1  }
0xc1: {  	(erf) = vpow2.f32 v12;
	_ =	sdelay $0x1  }
0xc2: {  	s8 =	sadd.s32 @p0 $0x10, s8  }
0xc3: {  	s6 =	smov.u32 @p0 s8  }
0xc4: {  	s8 =	sadd.s32 s6, s26  }
0xc5: {  	s9 =	sand.u32 $0x70, s6;
	s8 =	sand.u32 $0xFFFFFF80, s8  }
0xc6: {  	s8 =	sor.u32 s9, s8  }
0xc7: {  	v63 =	vld [tilespmem:s8+$0x1480];
	_ =	sdelay $0x1  }
0xc8: {  	v13 =	vor.u32 s6, v4;
	v14 =	vpop (erf)  }
0xc9: {  	vm3 =	vge.s32 v13, v9;
	vm4 =	vlt.s32 v13, v10;
	v9 =	vmul.f32 v14, v11  }
0xca: {  	vm3 =	vmand vm3, vm4  }
0xcb: {  	v9 =	vsel vm3, v9, v63  }
0xcc: {  	[tilespmem:s8+$0x1480] =	vst v9  }
.LBB2_66:
0xcd: {  	s1 =	sadd.s32 $0x1, s1  }
0xce: {  	p0 =	sne.s32 s1, $0x10  }
.Ltmp3:
0xcf: {  	_ = 	snop;
	(pc) =	sbr.rel @!p0 .LBB2_67-.Ltmp3, $1  }
0xd0: {  	_ =	sdelay $0x3  }
.LBB2_2:
0xd1: {  	v10 =	vmov s1;
	_ =	sdelay $0x4  }
0xd2: {  	v9 =	vld.idx.msk [tilespmem:v10+s31+$0x0], $0xffff  }
0xd3: {  	v10 =	vld.idx.msk [tilespmem:v10+s2+$0x0], $0xffff;
	_ =	sdelay $0x3  }
0xd4: {  	(v2sf) =	vpush v9, $0x0  }
0xd5: {  	(v2sf) =	vpush v10, $0x0;
	_ =	sdelay $0xd  }
0xd6: {  	s6 =	spop (v2sf)  }
0xd7: {  	s8 =	spop (v2sf);
	p0 =	sge.s32 s6, s5  }
0xd8: {  	p1 =	sle.s32 @!p0 s8, s3  }
0xd9: {  	p0 =	por p0, p1  }
.Ltmp4:
0xda: {  	_ = 	snop;
	(pc) =	sbr.rel @p0 .LBB2_66-.Ltmp4, $1  }
0xdb: {  	_ =	sdelay $0x3  }
0xdc: {  	s9 =	sadd.s32 $0xF, s8;
	s13 =	sadd.s32 $0xF, s6  }
0xdd: {  	s9 =	sshra.s32 s9, $0x4;
	s11 =	sshra.s32 s13, $0x4  }
0xde: {  	p0 =	slt.s32 s11, s9;
	s12 =	smov.u32 s9  }
0xdf: {  	s10 =	sshra.s32 s6, $0x4;
	s12 =	smov.u32 @p0 s11  }
0xe0: {  	p0 =	sle.s32 s12, s10  }
.Ltmp5:
0xe1: {  	_ = 	snop;
	(pc) =	sbr.rel @p0 .LBB2_13-.Ltmp5, $2  }
0xe2: {  	_ =	sdelay $0x2  }
0xe3: {  	v11 =	vimm.f32 $0.0e+00  }
0xe4: {  	s14 =	sshll.u32 s10, $0x6  }
0xe5: {  	s14 =	sshra.s32 s14, $0x2  }
0xe6: {  	s12 =	ssub.s32 s12, s10;
	s14 =	sadd.s32 s14, s24  }
0xe7: {  	p2 =	sne.s32 s12, $0x1;
	v14 =	vld [tilespmem:s14+$0x0]  }
.Ltmp6:
0xe8: {  	_ = 	snop;
	(pc) =	sbr.rel @!p2 .LBB2_5-.Ltmp6, $3  }
0xe9: {  	_ =	sdelay $0x1  }
0xea: {  	v11 =	vbroadcast v9, $0x0;
	s10 =	sshll.u32 s10, $0x4;
	p0 =	por $0x0, $0x0  }
0xeb: {  	v13 =	vbroadcast v10, $0x0;
	v12 =	vimm.f32 $0.0e+00;
	p1 =	por $0x0, $0x0;
	s12 =	sadd.s32 $0xFFFFFFFF, s12;
	s14 =	sadd.s32 $0x10, s14;
	v14 =	vmul.f32 $1.442695020e+00, v14  }
0xec: {  	v15 =	vld [tilespmem:s14+$0x0];
	p2 =	sne.s32 s12, $0x1  }
.Ltmp7:
0xed: {  	_ = 	snop;
	(pc) =	sbr.rel @!p2 .LBB2_7-.Ltmp7, $2  }
0xee: {  	_ =	sdelay $0x2  }
0xef: {  	s12 =	sadd.s32 $0xFFFFFFFF, s12;
	s15 =	sadd.s32 $0x10, s14;
	p0 =	por $0x1, $0x1;
	(erf) = vpow2.f32 v14;
	v14 =	vmul.f32 $1.442695020e+00, v15  }
0xf0: {  	_ =	sdelay $0x3  }
0xf1: {  	v15 =	vld [tilespmem:s15+$0x0];
	p2 =	sne.s32 s12, $0x1  }
.Ltmp8:
0xf2: {  	v16 =	vor.u32 s10, v4;
	(erf) = vpow2.f32 v14;
	(pc) =	sbr.rel @!p2 .LBB2_9-.Ltmp8, $4  }
0xf3: {  	_ = 	snop  }
0xf4: {  	vm3 =	vge.s32 v16, v11;
	vm4 =	vlt.s32 v16, v13  }
0xf5: {  	s14 =	sadd.s32 $0xFFFFFFFF, s12;
	vm3 =	vmand vm3, vm4;
	v16 =	vpop (erf)  }
0xf6: {  	s15 =	sadd.s32 $0x10, s15;
	p1 =	por $0x1, $0x1;
	s12 =	smov.u32 s10;
	v14 =	vmul.f32 $1.442695020e+00, v15;
	v15 =	vimm.f32 $0.0e+00;
	v16 =	vnsel vm3, $0x0, v16  }
.LBB2_10:
0xf7: {  	v17 =	vld [tilespmem:s15+$0x0];
	p2 =	sne.s32 s14, $0x1;
	s14 =	sadd.s32 $0xFFFFFFFF, s14;
	v15 =	vadd.f32 v16, v15  }
.Ltmp9:
0xf8: {  	s12 =	sadd.s32 $0x10, s12;
	(erf) = vpow2.f32 v14;
	(pc) =	sbr.rel @p2 .LBB2_10-.Ltmp9, $4  }
0xf9: {  	v14 =	vor.u32 s12, v4  }
0xfa: {  	vm3 =	vge.s32 v14, v11;
	vm4 =	vlt.s32 v14, v13  }
0xfb: {  	vm3 =	vmand vm3, vm4;
	v16 =	vpop (erf)  }
0xfc: {  	s15 =	sadd.s32 $0x10, s15;
	v14 =	vmul.f32 $1.442695020e+00, v17;
	v16 =	vnsel vm3, $0x0, v16  }
0xfd: {  	_ = 	snop  }
.LBB2_12:
0xfe: {  	(erf) = vpow2.f32 v14  }
0xff: {  	s12 =	sadd.s32 @p1 $0x10, s12;
	s14 =	smov.u32 s10  }
0x100: {  	s14 =	smov.u32 @p1 s12  }
0x101: {  	v14 =	vor.u32 @p0 s14, v4  }
0x102: {  	vm3 =	vge.s32 @p0 v14, v11;
	vm4 =	vlt.s32 @p0 v14, v13  }
0x103: {  	s12 =	sadd.s32 @p0 $0x10, s14;
	v14 =	vadd.f32 @p1 v16, v15;
	v15 =	vpop @p0 (erf);
	vm3 =	vmand @p0 vm3, vm4  }
0x104: {  	s10 =	smov.u32 @p0 s12;
	v15 =	vnsel @p0 vm3, $0x0, v15  }
0x105: {  	v62 =	vor.u32 s10, v4;
	v14 =	vpsel p1, v14, v12;
	v15 =	vpsel p0, v15, v0  }
0x106: {  	vm3 =	vge.s32 v62, v11;
	vm15 =	vlt.s32 v62, v13;
	v14 =	vadd.f32 @p0 v15, v14  }
0x107: {  	vm3 =	vmand vm3, vm15;
	v11 =	vpop (erf)  }
0x108: {  	v63 =	vpsel p0, v14, v12;
	v11 =	vnsel vm3, $0x0, v11  }
0x109: {  	v11 =	vadd.f32 v11, v63  }
.LBB2_13:
0x10a: {  	s12 =	sshrl.u32 s8, $0x4  }
0x10b: {  	s10 =	smov.u32 s11;
	p0 =	sgt.s32 s12, s11  }
0x10c: {  	s10 =	smov.u32 @p0 s12  }
0x10d: {  	s12 =	ssub.s32 s10, s11  }
0x10e: {  	s14 =	sshra.s32 s12, $0x2  }
0x10f: {  	p0 =	slt.s32 s14, $0x1  }
.Ltmp10:
0x110: {  	_ = 	snop;
	(pc) =	sbr.rel @p0 .LBB2_25-.Ltmp10, $1  }
0x111: {  	_ =	sdelay $0x3  }
0x112: {  	s13 =	sshll.u32 s13, $0x2  }
0x113: {  	s13 =	sshra.s32 s13, $0x2  }
0x114: {  	p3 =	sne.s32 s14, $0x1;
	s13 =	sand.u32 $0xFFFFFFF0, s13  }
.Ltmp11:
0x115: {  	s15 =	sadd.s32 s13, s25;
	(pc) =	sbr.rel @!p3 .LBB2_15-.Ltmp11, $4  }
0x116: {  	v16 =	vld [tilespmem:s15+$0xFFFFFFD0]  }
0x117: {  	v19 =	vld [tilespmem:s15+$0xFFFFFFE0]  }
0x118: {  	p0 =	por $0x0, $0x0;
	p1 =	por $0x0, $0x0;
	v12 =	vld [tilespmem:s15+$0xFFFFFFF0]  }
0x119: {  	p2 =	por $0x0, $0x0;
	s13 =	sadd.s32 $0xFFFFFFFF, s14;
	s14 =	sadd.s32 $0x40, s15;
	v13 =	vld [tilespmem:s15+$0x0]  }
0x11a: {  	_ = 	snop  }
0x11b: {  	p3 =	sne.s32 s13, $0x1;
	v14 =	vmul.f32 $1.442695020e+00, v16  }
.Ltmp12:
0x11c: {  	v15 =	vmul.f32 $1.442695020e+00, v19;
	(pc) =	sbr.rel @!p3 .LBB2_17-.Ltmp12, $4  }
0x11d: {  	v16 =	vld [tilespmem:s14+$0xFFFFFFD0];
	v17 =	vmul.f32 $1.442695020e+00, v12;
	(erf) = vpow2.f32 v14  }
0x11e: {  	v19 =	vld [tilespmem:s14+$0xFFFFFFE0];
	v14 =	vmul.f32 $1.442695020e+00, v13;
	(erf) = vpow2.f32 v15  }
0x11f: {  	v12 =	vld [tilespmem:s14+$0xFFFFFFF0];
	(erf) = vpow2.f32 v17  }
0x120: {  	s13 =	sadd.s32 $0xFFFFFFFF, s13;
	p0 =	por $0x1, $0x1;
	v13 =	vld [tilespmem:s14+$0x0];
	s14 =	sadd.s32 $0x40, s14;
	(erf) = vpow2.f32 v14  }
0x121: {  	_ = 	snop  }
0x122: {  	v14 =	vmul.f32 $1.442695020e+00, v16  }
0x123: {  	v15 =	vmul.f32 $1.442695020e+00, v19  }
0x124: {  	v17 =	vmul.f32 $1.442695020e+00, v12;
	(erf) = vpow2.f32 v14  }
0x125: {  	v14 =	vmul.f32 $1.442695020e+00, v13;
	(erf) = vpow2.f32 v15  }
0x126: {  	(erf) = vpow2.f32 v17  }
0x127: {  	(erf) = vpow2.f32 v14  }
0x128: {  	p3 =	sne.s32 s13, $0x1  }
.Ltmp13:
0x129: {  	_ = 	snop;
	(pc) =	sbr.rel @!p3 .LBB2_19-.Ltmp13, $4  }
0x12a: {  	v16 =	vld [tilespmem:s14+$0xFFFFFFD0]  }
0x12b: {  	v19 =	vld [tilespmem:s14+$0xFFFFFFE0]  }
0x12c: {  	v12 =	vld [tilespmem:s14+$0xFFFFFFF0]  }
0x12d: {  	s13 =	sadd.s32 $0xFFFFFFFF, s13;
	p1 =	por $0x1, $0x1;
	v13 =	vld [tilespmem:s14+$0x0];
	s14 =	sadd.s32 $0x40, s14;
	v14 =	vpop (erf)  }
0x12e: {  	_ = 	snop  }
0x12f: {  	v15 =	vmul.f32 $1.442695020e+00, v16  }
0x130: {  	v18 =	vmul.f32 $1.442695020e+00, v19  }
0x131: {  	v17 =	vpop (erf);
	v20 =	vmul.f32 $1.442695020e+00, v12;
	(erf) = vpow2.f32 v15  }
0x132: {  	p3 =	sne.s32 s13, $0x1;
	v16 =	vld [tilespmem:s14+$0xFFFFFFD0];
	v12 =	vpop (erf);
	v21 =	vmul.f32 $1.442695020e+00, v13;
	(erf) = vpow2.f32 v18  }
.Ltmp14:
0x133: {  	v19 =	vld [tilespmem:s14+$0xFFFFFFE0];
	v15 =	vadd.f32 v17, v14;
	v13 =	vpop (erf);
	(erf) = vpow2.f32 v20;
	(pc) =	sbr.rel @!p3 .LBB2_21-.Ltmp14, $3  }
0x134: {  	v18 =	vadd.f32 v13, v12;
	v12 =	vld [tilespmem:s14+$0xFFFFFFF0];
	(erf) = vpow2.f32 v21  }
0x135: {  	v13 =	vld [tilespmem:s14+$0x0];
	_ =	sdelay $0x1  }
0x136: {  	s13 =	sadd.s32 $0xFFFFFFFF, s13;
	p2 =	por $0x1, $0x1;
	s14 =	sadd.s32 $0x40, s14;
	v17 =	vpop (erf);
	v18 =	vadd.f32 v18, v15;
	v15 =	vmov v11  }
.LBB2_22:
0x137: {  	v25 =	vmul.f32 $1.442695020e+00, v16;
	v16 =	vld [tilespmem:s14+$0xFFFFFFD0];
	v21 =	vpop (erf);
	p3 =	sne.s32 s13, $0x1  }
.Ltmp15:
0x138: {  	v22 =	vmul.f32 $1.442695020e+00, v19;
	v19 =	vld [tilespmem:s14+$0xFFFFFFE0];
	v23 =	vmul.f32 $1.442695020e+00, v12;
	v24 =	vpop (erf);
	v15 =	vadd.f32 v18, v15;
	(pc) =	sbr.rel @p3 .LBB2_22-.Ltmp15, $4  }
0x139: {  	v12 =	vld [tilespmem:s14+$0xFFFFFFF0];
	v18 =	vmul.f32 $1.442695020e+00, v13;
	(erf) = vpow2.f32 v25;
	v20 =	vpop (erf)  }
0x13a: {  	v21 =	vadd.f32 v21, v17;
	v13 =	vld [tilespmem:s14+$0x0];
	(erf) = vpow2.f32 v22;
	v20 =	vadd.f32 v20, v24  }
0x13b: {  	s13 =	sadd.s32 $0xFFFFFFFF, s13;
	(erf) = vpow2.f32 v23  }
0x13c: {  	s14 =	sadd.s32 $0x40, s14;
	(erf) = vpow2.f32 v18;
	v17 =	vpop (erf);
	v18 =	vadd.f32 v20, v21  }
0x13d: {  	_ = 	snop  }
.LBB2_24:
0x13e: {  	v16 =	vmul.f32 $1.442695020e+00, v16  }
0x13f: {  	v19 =	vmul.f32 $1.442695020e+00, v19;
	v12 =	vmul.f32 $1.442695020e+00, v12  }
0x140: {  	v13 =	vmul.f32 $1.442695020e+00, v13;
	(erf) = vpow2.f32 v16  }
0x141: {  	(erf) = vpow2.f32 v19  }
0x142: {  	v16 =	vpop @p1 (erf);
	(erf) = vpow2.f32 v12  }
0x143: {  	v12 =	vpop @p1 (erf);
	(erf) = vpow2.f32 v13;
	v16 =	vadd.f32 @p1 v16, v17  }
0x144: {  	v13 =	vpop @p1 (erf)  }
0x145: {  	v12 =	vadd.f32 @p1 v13, v12;
	v13 =	vpop @p0 (erf)  }
0x146: {  	v17 =	vpop @p0 (erf)  }
0x147: {  	v12 =	vadd.f32 @p1 v12, v16;
	v16 =	vpop @p0 (erf)  }
0x148: {  	v15 =	vadd.f32 @p2 v18, v15;
	v13 =	vpsel p0, v13, v14;
	v14 =	vpop @p0 (erf)  }
0x149: {  	v13 =	vadd.f32 @p0 v17, v13;
	v14 =	vadd.f32 @p0 v14, v16;
	v59 =	vpop (erf)  }
0x14a: {  	v15 =	vpsel p2, v15, v11;
	v12 =	vpsel p1, v12, v0;
	v60 =	vpop (erf)  }
0x14b: {  	v12 =	vadd.f32 @p1 v12, v15;
	v13 =	vadd.f32 @p0 v14, v13;
	v61 =	vpop (erf)  }
0x14c: {  	v15 =	vadd.f32 v60, v59;
	v62 =	vpop (erf)  }
0x14d: {  	v12 =	vpsel p1, v12, v11;
	v13 =	vpsel p0, v13, v0;
	v14 =	vadd.f32 v62, v61  }
0x14e: {  	v12 =	vadd.f32 @p0 v13, v12  }
0x14f: {  	v63 =	vadd.f32 v14, v15  }
0x150: {  	v11 =	vpsel p0, v12, v11  }
0x151: {  	v11 =	vadd.f32 v63, v11  }
.LBB2_25:
0x152: {  	s13 =	sand.u32 $0xFFFFFFFC, s12  }
0x153: {  	s13 =	sadd.s32 s11, s13  }
0x154: {  	p0 =	sge.s32 s13, s10  }
.Ltmp16:
0x155: {  	_ = 	snop;
	(pc) =	sbr.rel @p0 .LBB2_28-.Ltmp16, $1  }
0x156: {  	_ =	sdelay $0x3  }
0x157: {  	s12 =	sshll.u32 s12, $0x6  }
0x158: {  	s11 =	sshll.u32 s11, $0x6;
	s12 =	sand.u32 $0xFFFFFF00, s12  }
0x159: {  	s11 =	sadd.s32 s11, s12;
	s12 =	sadd.s32 $0x1, s13  }
0x15a: {  	p2 =	slt.s32 s12, s10  }
.Ltmp17:
0x15b: {  	_ = 	snop;
	(pc) =	sbr.rel @!p2 .LBB2_27-.Ltmp17, $4  }
0x15c: {  	_ = 	snop  }
0x15d: {  	s11 =	sshra.s32 s11, $0x2  }
0x15e: {  	s11 =	sadd.s32 s11, s24  }
0x15f: {  	p0 =	por $0x0, $0x0;
	p1 =	por $0x0, $0x0;
	v12 =	vld [tilespmem:s11+$0x0]  }
0x160: {  	s12 =	sadd.s32 $0x1, s12  }
0x161: {  	p2 =	slt.s32 s12, s10  }
.Ltmp18:
0x162: {  	_ = 	snop;
	(pc) =	sbr.rel @!p2 .LBB2_32-.Ltmp18, $4  }
0x163: {  	_ = 	snop  }
0x164: {  	v13 =	vmul.f32 $1.442695020e+00, v12  }
0x165: {  	s13 =	sadd.s32 $0x10, s11  }
0x166: {  	p0 =	por $0x1, $0x1;
	v12 =	vld [tilespmem:s13+$0x0];
	(erf) = vpow2.f32 v13  }
0x167: {  	_ =	sdelay $0x1  }
0x168: {  	s11 =	sadd.s32 $0x1, s12  }
0x169: {  	p2 =	slt.s32 s11, s10  }
.Ltmp19:
0x16a: {  	s12 =	sadd.s32 $0x10, s13;
	v13 =	vmul.f32 $1.442695020e+00, v12;
	(pc) =	sbr.rel @!p2 .LBB2_34-.Ltmp19, $3  }
0x16b: {  	v12 =	vld [tilespmem:s12+$0x0]  }
0x16c: {  	(erf) = vpow2.f32 v13;
	_ =	sdelay $0x1  }
0x16d: {  	p1 =	por $0x1, $0x1;
	v14 =	vpop (erf);
	v13 =	vmov v11  }
.LBB2_35:
0x16e: {  	s11 =	sadd.s32 $0x1, s11  }
0x16f: {  	v15 =	vmul.f32 $1.442695020e+00, v12;
	s12 =	sadd.s32 $0x10, s12;
	v13 =	vadd.f32 v14, v13;
	p2 =	slt.s32 s11, s10  }
.Ltmp20:
0x170: {  	v12 =	vld [tilespmem:s12+$0x0];
	(pc) =	sbr.rel @p2 .LBB2_35-.Ltmp20, $2  }
0x171: {  	(erf) = vpow2.f32 v15;
	_ =	sdelay $0x2  }
0x172: {  	v14 =	vpop (erf)  }
0x173: {  	_ = 	snop  }
.LBB2_37:
0x174: {  	v12 =	vmul.f32 $1.442695020e+00, v12;
	_ =	sdelay $0x1  }
0x175: {  	(erf) = vpow2.f32 v12;
	_ =	sdelay $0x3  }
0x176: {  	v12 =	vadd.f32 @p1 v14, v13  }
0x177: {  	v13 =	vpop @p0 (erf)  }
0x178: {  	v13 =	vpsel p0, v13, v0;
	v12 =	vpsel p1, v12, v11  }
0x179: {  	v12 =	vadd.f32 @p0 v13, v12;
	_ =	sdelay $0x1  }
0x17a: {  	v11 =	vpsel p0, v12, v11;
	v63 =	vpop (erf)  }
0x17b: {  	v11 =	vadd.f32 v63, v11  }
.LBB2_28:
0x17c: {  	p0 =	sle.s32 s9, s10  }
.Ltmp21:
0x17d: {  	_ = 	snop;
	(pc) =	sbr.rel @p0 .LBB2_45-.Ltmp21, $1  }
0x17e: {  	_ =	sdelay $0x3  }
0x17f: {  	s11 =	sshll.u32 s10, $0x6  }
0x180: {  	s12 =	sshra.s32 s11, $0x2  }
0x181: {  	s15 =	ssub.s32 s9, s10;
	s12 =	sadd.s32 s12, s24  }
0x182: {  	p2 =	sne.s32 s15, $0x1;
	v14 =	vld [tilespmem:s12+$0x0]  }
.Ltmp22:
0x183: {  	_ = 	snop;
	(pc) =	sbr.rel @!p2 .LBB2_30-.Ltmp22, $3  }
0x184: {  	_ =	sdelay $0x1  }
0x185: {  	v12 =	vbroadcast v9, $0x0;
	s9 =	sshll.u32 s10, $0x4;
	p0 =	por $0x0, $0x0  }
0x186: {  	v13 =	vbroadcast v10, $0x0;
	p1 =	por $0x0, $0x0;
	s10 =	sadd.s32 $0xFFFFFFFF, s15;
	s11 =	sadd.s32 $0x10, s12;
	v14 =	vmul.f32 $1.442695020e+00, v14  }
0x187: {  	v15 =	vld [tilespmem:s11+$0x0];
	p2 =	sne.s32 s10, $0x1  }
.Ltmp23:
0x188: {  	_ = 	snop;
	(pc) =	sbr.rel @!p2 .LBB2_39-.Ltmp23, $2  }
0x189: {  	_ =	sdelay $0x2  }
0x18a: {  	s10 =	sadd.s32 $0xFFFFFFFF, s10;
	s12 =	sadd.s32 $0x10, s11;
	p0 =	por $0x1, $0x1;
	(erf) = vpow2.f32 v14;
	v14 =	vmul.f32 $1.442695020e+00, v15  }
0x18b: {  	_ =	sdelay $0x3  }
0x18c: {  	v15 =	vld [tilespmem:s12+$0x0];
	p2 =	sne.s32 s10, $0x1  }
.Ltmp24:
0x18d: {  	v16 =	vor.u32 s9, v4;
	(erf) = vpow2.f32 v14;
	(pc) =	sbr.rel @!p2 .LBB2_41-.Ltmp24, $4  }
0x18e: {  	_ = 	snop  }
0x18f: {  	vm3 =	vge.s32 v16, v12;
	vm4 =	vlt.s32 v16, v13  }
0x190: {  	s11 =	sadd.s32 $0xFFFFFFFF, s10;
	vm3 =	vmand vm3, vm4;
	v16 =	vpop (erf)  }
0x191: {  	s12 =	sadd.s32 $0x10, s12;
	p1 =	por $0x1, $0x1;
	s10 =	smov.u32 s9;
	v14 =	vmul.f32 $1.442695020e+00, v15;
	v15 =	vmov v11;
	v16 =	vnsel vm3, $0x0, v16  }
.LBB2_42:
0x192: {  	v17 =	vld [tilespmem:s12+$0x0];
	p2 =	sne.s32 s11, $0x1;
	s11 =	sadd.s32 $0xFFFFFFFF, s11;
	v15 =	vadd.f32 v16, v15  }
.Ltmp25:
0x193: {  	s10 =	sadd.s32 $0x10, s10;
	(erf) = vpow2.f32 v14;
	(pc) =	sbr.rel @p2 .LBB2_42-.Ltmp25, $4  }
0x194: {  	v14 =	vor.u32 s10, v4  }
0x195: {  	vm3 =	vge.s32 v14, v12;
	vm4 =	vlt.s32 v14, v13  }
0x196: {  	vm3 =	vmand vm3, vm4;
	v16 =	vpop (erf)  }
0x197: {  	s12 =	sadd.s32 $0x10, s12;
	v14 =	vmul.f32 $1.442695020e+00, v17;
	v16 =	vnsel vm3, $0x0, v16  }
0x198: {  	_ = 	snop  }
.LBB2_44:
0x199: {  	(erf) = vpow2.f32 v14  }
0x19a: {  	s10 =	sadd.s32 @p1 $0x10, s10;
	s11 =	smov.u32 s9  }
0x19b: {  	s11 =	smov.u32 @p1 s10  }
0x19c: {  	v14 =	vor.u32 @p0 s11, v4  }
0x19d: {  	vm3 =	vge.s32 @p0 v14, v12;
	vm4 =	vlt.s32 @p0 v14, v13  }
0x19e: {  	s10 =	sadd.s32 @p0 $0x10, s11;
	v14 =	vadd.f32 @p1 v16, v15;
	v15 =	vpop @p0 (erf);
	vm3 =	vmand @p0 vm3, vm4  }
0x19f: {  	s9 =	smov.u32 @p0 s10;
	v15 =	vnsel @p0 vm3, $0x0, v15  }
0x1a0: {  	v62 =	vor.u32 s9, v4;
	v14 =	vpsel p1, v14, v11;
	v15 =	vpsel p0, v15, v0  }
0x1a1: {  	vm3 =	vge.s32 v62, v12;
	vm15 =	vlt.s32 v62, v13;
	v14 =	vadd.f32 @p0 v15, v14  }
0x1a2: {  	vm3 =	vmand vm3, vm15;
	v63 =	vpop (erf)  }
0x1a3: {  	v11 =	vpsel p0, v14, v11;
	v12 =	vnsel vm3, $0x0, v63  }
0x1a4: {  	v11 =	vadd.f32 v12, v11  }
.LBB2_45:
0x1a5: {  	_ =	sdelay $0x2  }
0x1a6: {  	[tilespmem:$0x1980] =	vst v11  }
0x1a7: {  	v12 =	vld.idx.msk [tilespmem:v5+s0+$0x0], $0xffff;
	_ =	sdelay $0x4  }
0x1a8: {  	v11 =	vadd.f32 v12, v11;
	_ =	sdelay $0x1  }
0x1a9: {  	[tilespmem:$0x1980] =	vst v11  }
0x1aa: {  	v61 =	vld.idx.msk [tilespmem:v6+s0+$0x0], $0xffff;
	_ =	sdelay $0x4  }
0x1ab: {  	v11 =	vadd.f32 v61, v11;
	_ =	sdelay $0x1  }
0x1ac: {  	[tilespmem:$0x1980] =	vst v11  }
0x1ad: {  	v62 =	vld.idx.msk [tilespmem:v7+s0+$0x0], $0xffff;
	_ =	sdelay $0x4  }
0x1ae: {  	v11 =	vadd.f32 v62, v11;
	_ =	sdelay $0x1  }
0x1af: {  	[tilespmem:$0x1980] =	vst v11  }
0x1b0: {  	v63 =	vld.idx.msk [tilespmem:v8+s0+$0x0], $0xffff;
	_ =	sdelay $0x4  }
0x1b1: {  	p0 =	sgt.s32 s6, s3;
	v11 =	vadd.f32 v63, v11  }
0x1b2: {  	s10 =	smov.u32 s3;
	p1 =	slt.s32 s8, s5;
	s9 =	smov.u32 s5  }
0x1b3: {  	s10 =	smov.u32 @p0 s6;
	s9 =	smov.u32 @p1 s8;
	(erf) = vrcp.f32 v11  }
0x1b4: {  	s14 =	sadd.s32 $0xF, s9;
	s15 =	sadd.s32 $0xF, s10  }
0x1b5: {  	s6 =	sshrl.u32 s14, $0x4;
	s8 =	sshrl.u32 s15, $0x4  }
0x1b6: {  	s10 =	sshrl.u32 s10, $0x4;
	s11 =	smin.u32 s8, s6  }
0x1b7: {  	p0 =	sle.u32 s11, s10  }
.Ltmp26:
0x1b8: {  	_ = 	snop;
	(pc) =	sbr.rel @p0 .LBB2_48-.Ltmp26, $2  }
0x1b9: {  	_ =	sdelay $0x2  }
0x1ba: {  	v11 =	vpop (erf)  }
0x1bb: {  	s15 =	ssub.s32 s11, s10  }
0x1bc: {  	p1 =	seq.s32 s15, $0x1  }
.Ltmp27:
0x1bd: {  	_ = 	snop;
	(pc) =	sbr.rel @p1 .LBB2_47-.Ltmp27, $4  }
0x1be: {  	s12 =	sshll.u32 s10, $0x6  }
0x1bf: {  	s13 =	sshra.s32 s12, $0x2  }
0x1c0: {  	s11 =	sadd.s32 s13, s24  }
0x1c1: {  	v12 =	vbroadcast v9, $0x0;
	v13 =	vbroadcast v10, $0x0;
	s10 =	sshll.u32 s10, $0x4;
	p0 =	por $0x0, $0x0;
	s13 =	sadd.s32 $0xFFFFFFFF, s15;
	v14 =	vld [tilespmem:s11+$0x0]  }
0x1c2: {  	_ =	sdelay $0x3  }
0x1c3: {  	v14 =	vmul.f32 $1.442695020e+00, v14;
	_ =	sdelay $0x1  }
0x1c4: {  	(erf) = vpow2.f32 v14;
	_ =	sdelay $0x3  }
0x1c5: {  	s12 =	sadd.s32 s10, s26  }
0x1c6: {  	s14 =	sand.u32 $0x70, s10;
	s12 =	sand.u32 $0xFFFFFF80, s12  }
0x1c7: {  	s12 =	sor.u32 s14, s12  }
0x1c8: {  	v14 =	vld [tilespmem:s12+$0x1480];
	_ =	sdelay $0x1  }
0x1c9: {  	v15 =	vor.u32 s10, v4;
	p1 =	seq.s32 s13, $0x1;
	v16 =	vpop (erf)  }
.Ltmp28:
0x1ca: {  	vm3 =	vge.s32 v15, v12;
	vm4 =	vlt.s32 v15, v13;
	v15 =	vmul.f32 v16, v11;
	(pc) =	sbr.rel @p1 .LBB2_52-.Ltmp28, $4  }
0x1cb: {  	vm3 =	vmand vm3, vm4  }
0x1cc: {  	v14 =	vsel vm3, v15, v14  }
0x1cd: {  	[tilespmem:s12+$0x1480] =	vst v14;
	s12 =	sadd.s32 $0x10, s11  }
0x1ce: {  	s13 =	sadd.s32 $0xFFFFFFFF, s13;
	p0 =	por $0x1, $0x1;
	s11 =	smov.u32 s10;
	v14 =	vld [tilespmem:s12+$0x0]  }
.LBB2_53:
0x1cf: {  	p1 =	seq.s32 s13, $0x1;
	_ =	sdelay $0x3  }
0x1d0: {  	v14 =	vmul.f32 $1.442695020e+00, v14;
	_ =	sdelay $0x1  }
0x1d1: {  	(erf) = vpow2.f32 v14;
	_ =	sdelay $0x2  }
0x1d2: {  	s11 =	sadd.s32 $0x10, s11  }
0x1d3: {  	s14 =	sadd.s32 s11, s26  }
0x1d4: {  	s15 =	sand.u32 $0x70, s11;
	s14 =	sand.u32 $0xFFFFFF80, s14  }
0x1d5: {  	s14 =	sor.u32 s15, s14  }
0x1d6: {  	v14 =	vld [tilespmem:s14+$0x1480];
	_ =	sdelay $0x1  }
0x1d7: {  	v15 =	vor.u32 s11, v4;
	v16 =	vpop (erf)  }
.Ltmp29:
0x1d8: {  	vm3 =	vge.s32 v15, v12;
	vm4 =	vlt.s32 v15, v13;
	v15 =	vmul.f32 v16, v11;
	(pc) =	sbr.rel @!p1 .LBB2_53-.Ltmp29, $4  }
0x1d9: {  	vm3 =	vmand vm3, vm4  }
0x1da: {  	v14 =	vsel vm3, v15, v14  }
0x1db: {  	s12 =	sadd.s32 $0x10, s12;
	[tilespmem:s14+$0x1480] =	vst v14  }
0x1dc: {  	s13 =	sadd.s32 $0xFFFFFFFF, s13;
	v14 =	vld [tilespmem:s12+$0x0]  }
.LBB2_54:
0x1dd: {  	_ =	sdelay $0x3  }
0x1de: {  	v14 =	vmul.f32 $1.442695020e+00, v14;
	_ =	sdelay $0x1  }
0x1df: {  	(erf) = vpow2.f32 v14;
	_ =	sdelay $0x1  }
0x1e0: {  	s11 =	sadd.s32 @p0 $0x10, s11  }
0x1e1: {  	s10 =	smov.u32 @p0 s11  }
0x1e2: {  	s11 =	sadd.s32 s10, s26  }
0x1e3: {  	s12 =	sand.u32 $0x70, s10;
	s11 =	sand.u32 $0xFFFFFF80, s11  }
0x1e4: {  	s11 =	sor.u32 s12, s11  }
0x1e5: {  	v62 =	vld [tilespmem:s11+$0x1480];
	_ =	sdelay $0x1  }
0x1e6: {  	v15 =	vor.u32 s10, v4;
	v16 =	vpop (erf)  }
0x1e7: {  	vm3 =	vge.s32 v15, v12;
	vm4 =	vlt.s32 v15, v13;
	v63 =	vmul.f32 v16, v11  }
0x1e8: {  	vm3 =	vmand vm3, vm4  }
0x1e9: {  	v12 =	vsel vm3, v63, v62  }
0x1ea: {  	[tilespmem:s11+$0x1480] =	vst v12  }
.LBB2_48:
0x1eb: {  	s9 =	sshrl.u32 s9, $0x4  }
0x1ec: {  	p0 =	sle.u32 s9, s8  }
.Ltmp30:
0x1ed: {  	_ = 	snop;
	(pc) =	sbr.rel @p0 .LBB2_55-.Ltmp30, $2  }
0x1ee: {  	_ =	sdelay $0x2  }
0x1ef: {  	s9 =	smax.u32 s9, s8  }
0x1f0: {  	s11 =	ssub.s32 s9, s8  }
0x1f1: {  	p1 =	seq.s32 s11, $0x1  }
.Ltmp31:
0x1f2: {  	_ = 	snop;
	(pc) =	sbr.rel @p1 .LBB2_50-.Ltmp31, $4  }
0x1f3: {  	s10 =	sshll.u32 s8, $0x6  }
0x1f4: {  	s10 =	sshra.s32 s10, $0x2  }
0x1f5: {  	s10 =	sadd.s32 s10, s24  }
0x1f6: {  	s8 =	sshll.u32 s8, $0x4;
	p0 =	por $0x0, $0x0;
	s12 =	sadd.s32 $0xFFFFFFFF, s11;
	v12 =	vld [tilespmem:s10+$0x0]  }
0x1f7: {  	_ =	sdelay $0x3  }
0x1f8: {  	v12 =	vmul.f32 $1.442695020e+00, v12;
	_ =	sdelay $0x1  }
0x1f9: {  	(erf) = vpow2.f32 v12;
	_ =	sdelay $0x7  }
0x1fa: {  	p1 =	seq.s32 s12, $0x1  }
.Ltmp32:
0x1fb: {  	s11 =	sadd.s32 s8, s26;
	v12 =	vpop (erf);
	(pc) =	sbr.rel @p1 .LBB2_59-.Ltmp32, $4  }
0x1fc: {  	s13 =	sand.u32 $0x70, s8;
	s11 =	sand.u32 $0xFFFFFF80, s11;
	v12 =	vmul.f32 v12, v11  }
0x1fd: {  	s11 =	sor.u32 s13, s11  }
0x1fe: {  	[tilespmem:s11+$0x1480] =	vst v12;
	s11 =	sadd.s32 $0x10, s10  }
0x1ff: {  	s12 =	sadd.s32 $0xFFFFFFFF, s12;
	p0 =	por $0x1, $0x1;
	s10 =	smov.u32 s8;
	v12 =	vld [tilespmem:s11+$0x0]  }
.LBB2_60:
0x200: {  	p1 =	seq.s32 s12, $0x1;
	_ =	sdelay $0x3  }
0x201: {  	v12 =	vmul.f32 $1.442695020e+00, v12;
	_ =	sdelay $0x1  }
0x202: {  	(erf) = vpow2.f32 v12;
	_ =	sdelay $0x7  }
0x203: {  	s10 =	sadd.s32 $0x10, s10  }
.Ltmp33:
0x204: {  	s13 =	sadd.s32 s10, s26;
	v12 =	vpop (erf);
	(pc) =	sbr.rel @!p1 .LBB2_60-.Ltmp33, $4  }
0x205: {  	s14 =	sand.u32 $0x70, s10;
	s13 =	sand.u32 $0xFFFFFF80, s13;
	v12 =	vmul.f32 v12, v11  }
0x206: {  	s13 =	sor.u32 s14, s13  }
0x207: {  	s11 =	sadd.s32 $0x10, s11;
	[tilespmem:s13+$0x1480] =	vst v12  }
0x208: {  	s12 =	sadd.s32 $0xFFFFFFFF, s12;
	v12 =	vld [tilespmem:s11+$0x0]  }
.LBB2_61:
0x209: {  	_ =	sdelay $0x3  }
0x20a: {  	v12 =	vmul.f32 $1.442695020e+00, v12;
	_ =	sdelay $0x1  }
0x20b: {  	(erf) = vpow2.f32 v12;
	_ =	sdelay $0x6  }
0x20c: {  	s10 =	sadd.s32 @p0 $0x10, s10  }
0x20d: {  	s8 =	smov.u32 @p0 s10  }
0x20e: {  	s10 =	sadd.s32 s8, s26;
	v12 =	vpop (erf)  }
0x20f: {  	s8 =	sand.u32 $0x70, s8;
	s10 =	sand.u32 $0xFFFFFF80, s10;
	v12 =	vmul.f32 v12, v11  }
0x210: {  	s8 =	sor.u32 s8, s10  }
0x211: {  	[tilespmem:s8+$0x1480] =	vst v12  }
.LBB2_55:
0x212: {  	p0 =	sle.u32 s6, s9  }
.Ltmp34:
0x213: {  	_ = 	snop;
	(pc) =	sbr.rel @p0 .LBB2_66-.Ltmp34, $1  }
0x214: {  	_ =	sdelay $0x3  }
0x215: {  	s8 =	sshll.u32 s9, $0x6  }
0x216: {  	s10 =	ssub.s32 s6, s9;
	s8 =	sshra.s32 s8, $0x2  }
0x217: {  	p1 =	sne.s32 s10, $0x1;
	s8 =	sadd.s32 s8, s24  }
.Ltmp35:
0x218: {  	v12 =	vld [tilespmem:s8+$0x0];
	(pc) =	sbr.rel @!p1 .LBB2_57-.Ltmp35, $2  }
0x219: {  	_ =	sdelay $0x2  }
0x21a: {  	v9 =	vbroadcast v9, $0x0;
	v10 =	vbroadcast v10, $0x0;
	s6 =	sshll.u32 s9, $0x4;
	p0 =	por $0x0, $0x0;
	s10 =	sadd.s32 $0xFFFFFFFF, s10  }
0x21b: {  	v12 =	vmul.f32 $1.442695020e+00, v12;
	_ =	sdelay $0x1  }
0x21c: {  	(erf) = vpow2.f32 v12;
	_ =	sdelay $0x3  }
0x21d: {  	s9 =	sadd.s32 s6, s26  }
0x21e: {  	s11 =	sand.u32 $0x70, s6;
	s9 =	sand.u32 $0xFFFFFF80, s9  }
0x21f: {  	s9 =	sor.u32 s11, s9  }
0x220: {  	v12 =	vld [tilespmem:s9+$0x1480];
	_ =	sdelay $0x1  }
0x221: {  	v13 =	vor.u32 s6, v4;
	v14 =	vpop (erf)  }
0x222: {  	vm3 =	vge.s32 v13, v9;
	vm4 =	vlt.s32 v13, v10;
	v13 =	vmul.f32 v14, v11  }
0x223: {  	vm3 =	vmand vm3, vm4  }
0x224: {  	v12 =	vsel vm3, v13, v12  }
0x225: {  	p1 =	sne.s32 s10, $0x1;
	[tilespmem:s9+$0x1480] =	vst v12;
	s9 =	sadd.s32 $0x10, s8  }
.Ltmp36:
0x226: {  	v12 =	vld [tilespmem:s9+$0x0];
	(pc) =	sbr.rel @!p1 .LBB2_63-.Ltmp36, $2  }
0x227: {  	_ =	sdelay $0x2  }
0x228: {  	s10 =	sadd.s32 $0xFFFFFFFF, s10;
	p0 =	por $0x1, $0x1;
	s8 =	smov.u32 s6  }
.LBB2_64:
0x229: {  	p1 =	sne.s32 s10, $0x1;
	_ =	sdelay $0x3  }
0x22a: {  	v12 =	vmul.f32 $1.442695020e+00, v12;
	_ =	sdelay $0x1  }
0x22b: {  	(erf) = vpow2.f32 v12;
	_ =	sdelay $0x2  }
0x22c: {  	s8 =	sadd.s32 $0x10, s8  }
0x22d: {  	s11 =	sadd.s32 s8, s26  }
0x22e: {  	s12 =	sand.u32 $0x70, s8;
	s11 =	sand.u32 $0xFFFFFF80, s11  }
0x22f: {  	s11 =	sor.u32 s12, s11  }
0x230: {  	v12 =	vld [tilespmem:s11+$0x1480];
	_ =	sdelay $0x1  }
0x231: {  	v13 =	vor.u32 s8, v4;
	v14 =	vpop (erf)  }
.Ltmp37:
0x232: {  	vm3 =	vge.s32 v13, v9;
	vm4 =	vlt.s32 v13, v10;
	v13 =	vmul.f32 v14, v11;
	(pc) =	sbr.rel @p1 .LBB2_64-.Ltmp37, $4  }
0x233: {  	vm3 =	vmand vm3, vm4  }
0x234: {  	v12 =	vsel vm3, v13, v12  }
0x235: {  	s9 =	sadd.s32 $0x10, s9;
	[tilespmem:s11+$0x1480] =	vst v12  }
0x236: {  	s10 =	sadd.s32 $0xFFFFFFFF, s10;
	v12 =	vld [tilespmem:s9+$0x0]  }
.Ltmp38:
0x237: {  	_ = 	snop;
	(pc) =	sbr.rel .LBB2_65-.Ltmp38, $1  }
0x238: {  	_ =	sdelay $0x3  }
.LBB2_15:
.Ltmp39:
0x239: {  	(pc) =	sbr.rel .LBB2_24-.Ltmp39, $2  }
0x23a: {  	_ =	sdelay $0x2  }
0x23b: {  	v15 =	vmov v11  }
.LBB2_17:
.Ltmp40:
0x23c: {  	(pc) =	sbr.rel .LBB2_24-.Ltmp40, $2  }
0x23d: {  	_ =	sdelay $0x2  }
0x23e: {  	v15 =	vmov v11  }
.LBB2_19:
.Ltmp41:
0x23f: {  	(pc) =	sbr.rel .LBB2_24-.Ltmp41, $2  }
0x240: {  	_ =	sdelay $0x2  }
0x241: {  	v15 =	vmov v11;
	v17 =	vmov v14  }
.LBB2_21:
.Ltmp42:
0x242: {  	(pc) =	sbr.rel .LBB2_24-.Ltmp42, $2  }
0x243: {  	_ =	sdelay $0x2  }
0x244: {  	v15 =	vmov v11  }
.LBB2_5:
.Ltmp43:
0x245: {  	(pc) =	sbr.rel .LBB2_12-.Ltmp43, $2  }
0x246: {  	_ =	sdelay $0x2  }
0x247: {  	v15 =	vimm.f32 $0.0e+00;
	s12 =	smov.u32 s10  }
.LBB2_27:
.Ltmp44:
0x248: {  	(pc) =	sbr.rel .LBB2_37-.Ltmp44, $2  }
0x249: {  	_ =	sdelay $0x2  }
0x24a: {  	v13 =	vmov v11  }
.LBB2_30:
.Ltmp45:
0x24b: {  	(pc) =	sbr.rel .LBB2_44-.Ltmp45, $2  }
0x24c: {  	_ =	sdelay $0x2  }
0x24d: {  	v15 =	vmov v11;
	s10 =	smov.u32 s9  }
.LBB2_47:
.Ltmp46:
0x24e: {  	(pc) =	sbr.rel .LBB2_54-.Ltmp46, $2  }
0x24f: {  	_ =	sdelay $0x2  }
0x250: {  	s11 =	smov.u32 s10  }
.LBB2_50:
.Ltmp47:
0x251: {  	(pc) =	sbr.rel .LBB2_61-.Ltmp47, $2  }
0x252: {  	_ =	sdelay $0x2  }
0x253: {  	s10 =	smov.u32 s8  }
.LBB2_7:
.Ltmp48:
0x254: {  	(pc) =	sbr.rel .LBB2_12-.Ltmp48, $2  }
0x255: {  	_ =	sdelay $0x2  }
0x256: {  	v15 =	vimm.f32 $0.0e+00;
	s12 =	smov.u32 s10  }
.LBB2_32:
.Ltmp49:
0x257: {  	(pc) =	sbr.rel .LBB2_37-.Ltmp49, $2  }
0x258: {  	_ =	sdelay $0x2  }
0x259: {  	v13 =	vmov v11  }
.LBB2_39:
.Ltmp50:
0x25a: {  	(pc) =	sbr.rel .LBB2_44-.Ltmp50, $2  }
0x25b: {  	_ =	sdelay $0x2  }
0x25c: {  	v15 =	vmov v11;
	s10 =	smov.u32 s9  }
.LBB2_52:
.Ltmp51:
0x25d: {  	(pc) =	sbr.rel .LBB2_54-.Ltmp51, $2  }
0x25e: {  	_ =	sdelay $0x2  }
0x25f: {  	s11 =	smov.u32 s10  }
.LBB2_59:
.Ltmp52:
0x260: {  	(pc) =	sbr.rel .LBB2_61-.Ltmp52, $2  }
0x261: {  	_ =	sdelay $0x2  }
0x262: {  	s10 =	smov.u32 s8  }
.LBB2_63:
.Ltmp53:
0x263: {  	(pc) =	sbr.rel .LBB2_65-.Ltmp53, $2  }
0x264: {  	_ =	sdelay $0x2  }
0x265: {  	s8 =	smov.u32 s6  }
.LBB2_9:
.Ltmp54:
0x266: {  	(pc) =	sbr.rel .LBB2_12-.Ltmp54, $2  }
0x267: {  	_ =	sdelay $0x2  }
0x268: {  	v15 =	vimm.f32 $0.0e+00;
	s12 =	smov.u32 s10  }
.LBB2_34:
.Ltmp55:
0x269: {  	(pc) =	sbr.rel .LBB2_37-.Ltmp55, $2  }
0x26a: {  	_ =	sdelay $0x2  }
0x26b: {  	v13 =	vmov v11  }
.LBB2_41:
.Ltmp56:
0x26c: {  	(pc) =	sbr.rel .LBB2_44-.Ltmp56, $2  }
0x26d: {  	_ =	sdelay $0x2  }
0x26e: {  	v15 =	vmov v11;
	s10 =	smov.u32 s9  }
.LBB2_68:
0x26f: {  	_ =	sfence.sel $0x180000  }
0x270: {  	[bflag:$0x0] =	sbarrier.arrive $0xFFFF  }
0x271: {  	_ =	strace $0x90000047  }
0x272: {  	s0 =	stileid.u32;
	[bflag:$0x2] =	sbarrier.arrive $0xFFFF  }
0x273: {  	p0 =	sne.s32 s0, $0x0;
	s0 =	rddreg [dreg:$0x3]  }
0x274: {  	s0 =	sadd.s32 @!p0 $0x100000, s0  }
0x275: {  	[sflag:s0] =	ssyncadd.tile.s32 @!p0 $0x1;
	_ =	shalt  }
.Lfunc_end2:
_tile_overlayer_lowered:
.L_overlay_start_2:
0x276: {  	(tag) =	ssettag $0x2  }
0x277: {  	s0 =	rddreg [dreg:$0x0];
	s2 =	stileid.u32  }
0x278: {  	s1 =	rddreg [dreg:$0x1];
	p0 =	sne.s32 s2, $0x0  }
0x279: {  	s3 =	rddreg [dreg:$0x2];
	[bflag:$0x3] =	sbarrier.arrive $0xFFFF;
	s2 =	simm.s32 @!p0 $0x1C01  }
0x27a: {  	[timem:s3], [sflag:s2] =	dma.local @!p0 [hbm:s0], s1  }
0x27b: {  	s0 =	simm.s32 @!p0 $0x1  }
0x27c: {  	_ =	swait.ge @!p0 [sflag:s0], s1  }
0x27d: {  	s1 =	ssub.s32 @!p0 $0x0, s1;
	[sflag:s0] =	ssyncset.done @!p0 $0x0  }
0x27e: {  	[sflag:s0] =	ssyncadd.s32 @!p0 s1  }
0x27f: {  	[bflag:$0x3] =	sbarrier.arrive $0xFFFF  }
0x280: {  	_ =	shalt  }

</sc_bundles>
